<compile_context>
chip_gen: v7x
topology: tpu7x:2x2x1
jax: 0.10.2.dev20260603
libtpu: 0.0.44.dev20260713+nightly
codegen_flags: <defaults>
</compile_context>

<pallas_src>
import jax
import jax.numpy as jnp
from jax import lax
from jax.experimental import pallas as pl
from jax.experimental.pallas import tpu as pltpu
from jax.experimental.pallas import tpu_sc as plsc

N = 10000
E = 320000
D = 128

NC = 2
NS = 16
NW = NC * NS
L = 16

C = 128
K = 80
G8 = 8
EP_T = K * C
EPAD = EP_T * NW
SROWS = 80
NPAD = SROWS * 128
RPT = NPAD // NS

BLK = 512
GRID = (N + BLK - 1) // BLK


def _pre_body(x_ref, w_ref, b_ref, a_ref, h_ref, g_ref, p_ref):
    h = jnp.dot(x_ref[...], w_ref[...], preferred_element_type=jnp.float32)
    h = h + b_ref[...]
    hr = jnp.maximum(h, 0.0)
    es = jnp.sum(a_ref[...] * hr, axis=1, keepdims=True)
    p = jnp.exp(es)
    h_ref[...] = h
    g_ref[...] = h * p
    p_ref[...] = p


def _pre(x, w, b2, a2):
    return pl.pallas_call(
        _pre_body,
        grid=(GRID,),
        in_specs=[
            pl.BlockSpec((BLK, D), lambda i: (i, 0)),
            pl.BlockSpec((D, D), lambda i: (0, 0)),
            pl.BlockSpec((1, D), lambda i: (0, 0)),
            pl.BlockSpec((1, D), lambda i: (0, 0)),
        ],
        out_specs=[
            pl.BlockSpec((BLK, D), lambda i: (i, 0)),
            pl.BlockSpec((BLK, D), lambda i: (i, 0)),
            pl.BlockSpec((BLK, 1), lambda i: (i, 0)),
        ],
        out_shape=[
            jax.ShapeDtypeStruct((N, D), jnp.float32),
            jax.ShapeDtypeStruct((N, D), jnp.float32),
            jax.ShapeDtypeStruct((N, 1), jnp.float32),
        ],
    )(x, w, b2, a2)


def _sc_body(zero_hbm, iota_hbm, src_hbm, dst_hbm, p_hbm, g_hbm, racc_hbm,
             s_hbm, src_v, dst_v, p_v, rows_v, s_loc, rowidx_v, acc_sh, s_sh,
             gsem0):
    c = lax.axis_index("c")
    t = lax.axis_index("s")
    w = c * NS + t

    pltpu.sync_copy(zero_hbm, acc_sh.at[pl.ds(t * RPT, RPT)])
    pltpu.sync_copy(zero_hbm.at[pl.ds(0, SROWS)], s_loc)
    pltpu.sync_copy(iota_hbm, rowidx_v)
    @pl.when(t == 0)
    def _():
        pltpu.sync_copy(zero_hbm.at[pl.ds(0, SROWS)], s_sh)
    plsc.subcore_barrier()

    pltpu.sync_copy(p_hbm, p_v)

    def scalar_pass(b):
        for k in range(C // L):
            s16 = src_v[b, pl.ds(k * L, L)]
            d16 = dst_v[b, pl.ds(k * L, L)]
            pv = plsc.load_gather(p_v, [s16])
            plsc.addupdate_scatter(s_loc, [d16 >> 7, d16 & 127], pv)

    def group(gi, carry):
        pltpu.sync_copy(src_hbm.at[w, pl.ds(gi * G8, G8)], src_v)
        pltpu.sync_copy(dst_hbm.at[w, pl.ds(gi * G8, G8)], dst_v)
        for b in range(G8):
            cp = pltpu.async_copy(g_hbm.at[src_v.at[b]], rows_v, gsem0)
            scalar_pass(b)
            cp.wait()
            pltpu.sync_copy(rows_v, acc_sh.at[dst_v.at[b]], add=True)
        return carry
    lax.fori_loop(0, K // G8, group, 0)

    pltpu.sync_copy(s_loc, s_sh.at[rowidx_v], add=True)
    plsc.subcore_barrier()

    pltpu.sync_copy(acc_sh.at[pl.ds(t * RPT, RPT)],
                    racc_hbm.at[c, pl.ds(t * RPT, RPT)])
    @pl.when(t == 0)
    def _():
        pltpu.sync_copy(s_sh, s_hbm.at[c])


def _sc(zero, iota, src3, dst3, p1, g):
    mesh = plsc.VectorSubcoreMesh(core_axis_name="c", subcore_axis_name="s",
                                  num_cores=NC, num_subcores=NS)
    fn = pl.kernel(
        _sc_body,
        out_type=[
            jax.ShapeDtypeStruct((NC, NPAD, D), jnp.float32),
            jax.ShapeDtypeStruct((NC, SROWS, 128), jnp.float32),
        ],
        mesh=mesh,
        compiler_params=pltpu.CompilerParams(needs_layout_passes=False),
        scratch_types=[
            pltpu.VMEM((G8, C), jnp.int32),
            pltpu.VMEM((G8, C), jnp.int32),
            pltpu.VMEM((N,), jnp.float32),
            pltpu.VMEM((C, D), jnp.float32),
            pltpu.VMEM((SROWS, 128), jnp.float32),
            pltpu.VMEM((SROWS,), jnp.int32),
            pltpu.VMEM_SHARED((NPAD, D), jnp.float32),
            pltpu.VMEM_SHARED((SROWS, 128), jnp.float32),
            pltpu.SemaphoreType.DMA,
        ],
    )
    return fn(zero, iota, src3, dst3, p1, g)


def _post_body(racc_ref, s_ref, h_ref, out_ref):
    racc = racc_ref[0]
    for q in range(1, NC):
        racc = racc + racc_ref[q]
    rst = racc / (s_ref[...] + 1e-9) + h_ref[...]
    rst = jnp.maximum(rst, 0.0)
    nrm = jnp.sqrt(jnp.sum(rst * rst, axis=1, keepdims=True))
    out_ref[...] = rst / jnp.maximum(nrm, 1e-12)


def _post(racc, s_col, h):
    return pl.pallas_call(
        _post_body,
        grid=(GRID,),
        in_specs=[
            pl.BlockSpec((NC, BLK, D), lambda i: (0, i, 0)),
            pl.BlockSpec((BLK, 1), lambda i: (i, 0)),
            pl.BlockSpec((BLK, D), lambda i: (i, 0)),
        ],
        out_specs=pl.BlockSpec((BLK, D), lambda i: (i, 0)),
        out_shape=jax.ShapeDtypeStruct((N, D), jnp.float32),
    )(racc, s_col, h)


def kernel(x, edge_index, W, b, attn_src, attn_dst):
    del attn_dst
    a2 = attn_src.reshape(1, D)
    b2 = b.reshape(1, D)
    h, g, p2 = _pre(x, W, b2, a2)

    src = edge_index[0]
    dst = edge_index[1]
    pad = EPAD - E
    src3 = jnp.concatenate([src, jnp.zeros((pad,), jnp.int32)]).reshape(NW, K, C)
    dst3 = jnp.concatenate([dst, jnp.full((pad,), N, jnp.int32)]).reshape(NW, K, C)

    zero = jnp.zeros((RPT, D), jnp.float32)
    iota = jnp.arange(SROWS, dtype=jnp.int32)
    racc, s_out = _sc(zero, iota, src3, dst3, p2.reshape(N), g)
    s_col = s_out.sum(axis=0).reshape(NPAD, 1)
    return _post(racc, s_col, h)

# --- scband reference (transcript-rebuilt; emitter-appended) ---
"""Pipeline reference for scband-instance-fusion-18047452578379 (READ-ONLY COPY).

The authoritative reference and input builder live on the scoring server;
editing this copy changes nothing except your own understanding.
"""

import jax, jax.numpy as jnp
import numpy as np

N = 10000
E = 320000
D_IN = 128
D_OUT = 128
H = 1


def setup_inputs(seed: int = 0) -> dict:
    key = jax.random.key(seed)
    ks = jax.random.split(key, 6)
    x = jax.random.normal(ks[0], (N, D_IN), dtype=jnp.float32)
    edge_index = jax.random.randint(ks[1], (2, E), 0, N, dtype=jnp.int32)
    # learned params: tf_mods[target] Linear(D_IN -> H*D_OUT), attention vectors
    W = jax.random.normal(ks[2], (D_IN, H * D_OUT), dtype=jnp.float32) * 0.05
    b = jnp.zeros((H * D_OUT,), dtype=jnp.float32)
    attn_src = jax.random.normal(ks[3], (1, H, D_OUT), dtype=jnp.float32) * 0.1
    attn_dst = jax.random.normal(ks[4], (1, H, D_OUT), dtype=jnp.float32) * 0.1
    return {"x": x, "edge_index": edge_index, "W": W, "b": b, "attn_src": attn_src, "attn_dst": attn_dst}


def reference(x, edge_index, W, b, attn_src, attn_dst):
    # feature transform (feat_dropout=0 -> identity)
    h = (x @ W + b).reshape(-1, H, D_OUT)  # [N, H, D]
    # attention logits per node
    e_src = jnp.sum(attn_src * jax.nn.relu(h), axis=-1, keepdims=True)  # [N, H, 1]
    e_dst = jnp.sum(attn_dst * jax.nn.relu(h), axis=-1, keepdims=True)  # [N, H, 1]
    src = edge_index[0]
    dst = edge_index[1]
    # u_add_v: per-edge logits
    e = e_src[src] + e_dst[dst]  # [E, H, 1]
    # edge_softmax over incoming edges of each dst node
    e_max = jax.ops.segment_max(e, dst, num_segments=N)
    e_max = jnp.where(jnp.isfinite(e_max), e_max, 0.0)
    e_max = jax.lax.stop_gradient(e_max)
    e_exp = jnp.exp(e - e_max[dst])
    denom = jax.ops.segment_sum(e_exp, dst, num_segments=N)
    a = e_exp / (denom[dst] + 1e-9)  # attn_dropout=0 -> identity
    # u_mul_e then sum-reduce to dst
    msg = h[src] * a  # [E, H, D]
    rst = jax.ops.segment_sum(msg, dst, num_segments=N)  # [N, H, D]
    # residual (non-block graph: h_dst == h)
    rst = rst + h
    # activation
    rst = jax.nn.relu(rst)
    out = rst.reshape(rst.shape[0], -1)  # [N, H*D]
    # l2 normalize (F.normalize, eps=1e-12)
    norm = jnp.linalg.norm(out, ord=2, axis=1, keepdims=True)
    out = out / jnp.maximum(norm, 1e-12)
    return out

if __name__ == "__main__":
    import jax
    _d = setup_inputs()
    print(jax.jit(kernel)(*tuple(_d.values())))

</pallas_src>

<mosaic_0001>
#map = affine_map<(d0, d1) -> (0, 0)>
#map1 = affine_map<(d0, d1) -> (0)>
#map2 = affine_map<(d0, d1) -> (0, 0, 0)>
module attributes {stable_mosaic.version = 14 : i64} {
  func.func @_sc_body(%arg0: i32, %arg1: i32, %arg2: memref<640x128xf32, #tpu.memory_space<hbm>>, %arg3: memref<80xi32, #tpu.memory_space<hbm>>, %arg4: memref<32x80x128xi32, #tpu.memory_space<hbm>>, %arg5: memref<32x80x128xi32, #tpu.memory_space<hbm>>, %arg6: memref<10000xf32, #tpu.memory_space<hbm>>, %arg7: memref<10000x128xf32, #tpu.memory_space<hbm>>, %arg8: memref<2x10240x128xf32, #tpu.memory_space<hbm>>, %arg9: memref<2x80x128xf32, #tpu.memory_space<hbm>>, %arg10: memref<8x128xi32, #tpu.memory_space<vmem>>, %arg11: memref<8x128xi32, #tpu.memory_space<vmem>>, %arg12: memref<10000xf32, #tpu.memory_space<vmem>>, %arg13: memref<128x128xf32, #tpu.memory_space<vmem>>, %arg14: memref<80x128xf32, #tpu.memory_space<vmem>>, %arg15: memref<80xi32, #tpu.memory_space<vmem>>, %arg16: memref<10240x128xf32, #tpu.memory_space<vmem_shared>>, %arg17: memref<80x128xf32, #tpu.memory_space<vmem_shared>>, %arg18: memref<!tpu.dma_semaphore, #tpu.memory_space<semaphore_mem>>) attributes {dimension_semantics = [#tpu.dimension_semantics<core_parallel>, #tpu.dimension_semantics<subcore_parallel>], iteration_bounds = array<i64: 2, 16>, scalar_prefetch = 0 : i64, scratch_operands = 9 : i64, tpu.core_type = #tpu.core_type<sc_vector_subcore>, window_params = [{transform_indices = #map}, {transform_indices = #map1}, {transform_indices = #map2}, {transform_indices = #map2}, {transform_indices = #map1}, {transform_indices = #map}, {transform_indices = #map2}, {transform_indices = #map2}]} {
    %mul3A = arith.constant 16 : i32
    %mul3A_0 = arith.muli %arg0, %mul3A : i32
    %add3A = arith.addi %mul3A_0, %arg1 : i32
    %mul3A_1 = arith.constant 640 : i32
    %mul3A_2 = arith.muli %arg1, %mul3A_1 : i32
    "tpu.region"() ({
      %run_scoped3A = tpu.sem_alloc : memref<!tpu.dma_semaphore, #tpu.memory_space<semaphore_mem>>
      %dma_start3A = arith.constant 0 : i32
      %dma_start3A_20 = tpu.memref_slice %arg16[%mul3A_2, %dma_start3A] : memref<10240x128xf32, #tpu.memory_space<vmem_shared>> -> memref<640x128xf32, #tpu.memory_space<vmem_shared>>
      tpu.enqueue_dma source(%arg2 : memref<640x128xf32, #tpu.memory_space<hbm>>) target(%dma_start3A_20 : memref<640x128xf32, #tpu.memory_space<vmem_shared>>) target_semaphore(%run_scoped3A : memref<!tpu.dma_semaphore, #tpu.memory_space<semaphore_mem>>)
      %dma_wait3A = arith.constant 0 : i32
      %dma_wait3A_21 = tpu.memref_slice %arg16[%mul3A_2, %dma_wait3A] : memref<10240x128xf32, #tpu.memory_space<vmem_shared>> -> memref<640x128xf32, #tpu.memory_space<vmem_shared>>
      tpu.wait_dma2 semaphore(%run_scoped3A : memref<!tpu.dma_semaphore, #tpu.memory_space<semaphore_mem>>) src(%arg2 : memref<640x128xf32, #tpu.memory_space<hbm>>) dst(%dma_wait3A_21 : memref<640x128xf32, #tpu.memory_space<vmem_shared>>)
      tpu.yield
    }) : () -> ()
    "tpu.region"() ({
      %run_scoped3A = tpu.sem_alloc : memref<!tpu.dma_semaphore, #tpu.memory_space<semaphore_mem>>
      %dma_start3A = arith.constant 0 : i32
      %dma_start3A_20 = arith.constant 0 : i32
      %dma_start3A_21 = tpu.memref_slice %arg2[%dma_start3A, %dma_start3A_20] : memref<640x128xf32, #tpu.memory_space<hbm>> -> memref<80x128xf32, #tpu.memory_space<hbm>>
      %dma_start3A_22 = arith.constant 0 : i32
      %dma_start3A_23 = arith.constant 0 : i32
      %dma_start3A_24 = tpu.memref_slice %arg2[%dma_start3A_22, %dma_start3A_23] : memref<640x128xf32, #tpu.memory_space<hbm>> -> memref<80x128xf32, #tpu.memory_space<hbm>>
      tpu.enqueue_dma source(%dma_start3A_24 : memref<80x128xf32, #tpu.memory_space<hbm>>) target(%arg14 : memref<80x128xf32, #tpu.memory_space<vmem>>) target_semaphore(%run_scoped3A : memref<!tpu.dma_semaphore, #tpu.memory_space<semaphore_mem>>)
      %dma_wait3A = arith.constant 0 : i32
      %dma_wait3A_25 = arith.constant 0 : i32
      %dma_wait3A_26 = tpu.memref_slice %arg2[%dma_wait3A, %dma_wait3A_25] : memref<640x128xf32, #tpu.memory_space<hbm>> -> memref<80x128xf32, #tpu.memory_space<hbm>>
      %dma_wait3A_27 = arith.constant 0 : i32
      %dma_wait3A_28 = arith.constant 0 : i32
      %dma_wait3A_29 = tpu.memref_slice %arg2[%dma_wait3A_27, %dma_wait3A_28] : memref<640x128xf32, #tpu.memory_space<hbm>> -> memref<80x128xf32, #tpu.memory_space<hbm>>
      tpu.wait_dma2 semaphore(%run_scoped3A : memref<!tpu.dma_semaphore, #tpu.memory_space<semaphore_mem>>) src(%dma_wait3A_29 : memref<80x128xf32, #tpu.memory_space<hbm>>) dst(%arg14 : memref<80x128xf32, #tpu.memory_space<vmem>>)
      tpu.yield
    }) : () -> ()
    "tpu.region"() ({
      %run_scoped3A = tpu.sem_alloc : memref<!tpu.dma_semaphore, #tpu.memory_space<semaphore_mem>>
      tpu.enqueue_dma source(%arg3 : memref<80xi32, #tpu.memory_space<hbm>>) target(%arg15 : memref<80xi32, #tpu.memory_space<vmem>>) target_semaphore(%run_scoped3A : memref<!tpu.dma_semaphore, #tpu.memory_space<semaphore_mem>>)
      tpu.wait_dma2 semaphore(%run_scoped3A : memref<!tpu.dma_semaphore, #tpu.memory_space<semaphore_mem>>) src(%arg3 : memref<80xi32, #tpu.memory_space<hbm>>) dst(%arg15 : memref<80xi32, #tpu.memory_space<vmem>>)
      tpu.yield
    }) : () -> ()
    %eq3A = arith.constant 0 : i32
    %eq3A_3 = arith.cmpi eq, %arg1, %eq3A : i32
    %convert_element_type3A = arith.extui %eq3A_3 : i1 to i32
    %cond3A = arith.constant 0 : i32
    %cond3A_4 = arith.cmpi ne, %convert_element_type3A, %cond3A : i32
    scf.if %cond3A_4 {
      "tpu.region"() ({
        %run_scoped3A = tpu.sem_alloc : memref<!tpu.dma_semaphore, #tpu.memory_space<semaphore_mem>>
        %dma_start3A = arith.constant 0 : i32
        %dma_start3A_20 = arith.constant 0 : i32
        %dma_start3A_21 = tpu.memref_slice %arg2[%dma_start3A, %dma_start3A_20] : memref<640x128xf32, #tpu.memory_space<hbm>> -> memref<80x128xf32, #tpu.memory_space<hbm>>
        tpu.enqueue_dma source(%dma_start3A_21 : memref<80x128xf32, #tpu.memory_space<hbm>>) target(%arg17 : memref<80x128xf32, #tpu.memory_space<vmem_shared>>) target_semaphore(%run_scoped3A : memref<!tpu.dma_semaphore, #tpu.memory_space<semaphore_mem>>)
        %dma_wait3A = arith.constant 0 : i32
        %dma_wait3A_22 = arith.constant 0 : i32
        %dma_wait3A_23 = tpu.memref_slice %arg2[%dma_wait3A, %dma_wait3A_22] : memref<640x128xf32, #tpu.memory_space<hbm>> -> memref<80x128xf32, #tpu.memory_space<hbm>>
        tpu.wait_dma2 semaphore(%run_scoped3A : memref<!tpu.dma_semaphore, #tpu.memory_space<semaphore_mem>>) src(%dma_wait3A_23 : memref<80x128xf32, #tpu.memory_space<hbm>>) dst(%arg17 : memref<80x128xf32, #tpu.memory_space<vmem_shared>>)
        tpu.yield
      }) : () -> ()
    } else {
    }
    %barrier3A = arith.constant 0 : index
    tpu.barrier barrier_id(%barrier3A)
    "tpu.region"() ({
      %run_scoped3A = tpu.sem_alloc : memref<!tpu.dma_semaphore, #tpu.memory_space<semaphore_mem>>
      tpu.enqueue_dma source(%arg6 : memref<10000xf32, #tpu.memory_space<hbm>>) target(%arg12 : memref<10000xf32, #tpu.memory_space<vmem>>) target_semaphore(%run_scoped3A : memref<!tpu.dma_semaphore, #tpu.memory_space<semaphore_mem>>)
      tpu.wait_dma2 semaphore(%run_scoped3A : memref<!tpu.dma_semaphore, #tpu.memory_space<semaphore_mem>>) src(%arg6 : memref<10000xf32, #tpu.memory_space<hbm>>) dst(%arg12 : memref<10000xf32, #tpu.memory_space<vmem>>)
      tpu.yield
    }) : () -> ()
    %scan3A = arith.constant 0 : i32
    %scan3A_5 = arith.constant 0 : i32
    %scan3A_6 = arith.constant 10 : i32
    %scan3A_7 = arith.addi %scan3A_5, %scan3A_6 : i32
    %scan3A_8 = arith.constant 1 : i32
    scf.for %scan3A_20 = %scan3A_5 to %scan3A_7 step %scan3A_8  : i32 {
      %mul3A_21 = arith.constant 8 : i32
      %mul3A_22 = arith.muli %scan3A_20, %mul3A_21 : i32
      "tpu.region"() ({
        %run_scoped3A_1098 = tpu.sem_alloc : memref<!tpu.dma_semaphore, #tpu.memory_space<semaphore_mem>>
        %dma_start3A_1099 = arith.constant 0 : i32
        %dma_start3A_1100 = tpu.memref_slice %arg4[%add3A, %mul3A_22, %dma_start3A_1099] : memref<32x80x128xi32, #tpu.memory_space<hbm>> -> memref<1x8x128xi32, #tpu.memory_space<hbm>>
        %dma_start3A_1101 = tpu.memref_squeeze %dma_start3A_1100 : memref<1x8x128xi32, #tpu.memory_space<hbm>> -> memref<8x128xi32, #tpu.memory_space<hbm>>
        %dma_start3A_1102 = arith.constant 0 : i32
        %dma_start3A_1103 = tpu.memref_slice %arg4[%add3A, %mul3A_22, %dma_start3A_1102] : memref<32x80x128xi32, #tpu.memory_space<hbm>> -> memref<1x8x128xi32, #tpu.memory_space<hbm>>
        %dma_start3A_1104 = tpu.memref_squeeze %dma_start3A_1103 : memref<1x8x128xi32, #tpu.memory_space<hbm>> -> memref<8x128xi32, #tpu.memory_space<hbm>>
        tpu.enqueue_dma source(%dma_start3A_1104 : memref<8x128xi32, #tpu.memory_space<hbm>>) target(%arg10 : memref<8x128xi32, #tpu.memory_space<vmem>>) target_semaphore(%run_scoped3A_1098 : memref<!tpu.dma_semaphore, #tpu.memory_space<semaphore_mem>>)
        %dma_wait3A_1105 = arith.constant 0 : i32
        %dma_wait3A_1106 = tpu.memref_slice %arg4[%add3A, %mul3A_22, %dma_wait3A_1105] : memref<32x80x128xi32, #tpu.memory_space<hbm>> -> memref<1x8x128xi32, #tpu.memory_space<hbm>>
        %dma_wait3A_1107 = tpu.memref_squeeze %dma_wait3A_1106 : memref<1x8x128xi32, #tpu.memory_space<hbm>> -> memref<8x128xi32, #tpu.memory_space<hbm>>
        %dma_wait3A_1108 = arith.constant 0 : i32
        %dma_wait3A_1109 = tpu.memref_slice %arg4[%add3A, %mul3A_22, %dma_wait3A_1108] : memref<32x80x128xi32, #tpu.memory_space<hbm>> -> memref<1x8x128xi32, #tpu.memory_space<hbm>>
        %dma_wait3A_1110 = tpu.memref_squeeze %dma_wait3A_1109 : memref<1x8x128xi32, #tpu.memory_space<hbm>> -> memref<8x128xi32, #tpu.memory_space<hbm>>
        tpu.wait_dma2 semaphore(%run_scoped3A_1098 : memref<!tpu.dma_semaphore, #tpu.memory_space<semaphore_mem>>) src(%dma_wait3A_1110 : memref<8x128xi32, #tpu.memory_space<hbm>>) dst(%arg10 : memref<8x128xi32, #tpu.memory_space<vmem>>)
        tpu.yield
      }) : () -> ()
      %mul3A_23 = arith.constant 8 : i32
      %mul3A_24 = arith.muli %scan3A_20, %mul3A_23 : i32
      "tpu.region"() ({
        %run_scoped3A_1098 = tpu.sem_alloc : memref<!tpu.dma_semaphore, #tpu.memory_space<semaphore_mem>>
        %dma_start3A_1099 = arith.constant 0 : i32
        %dma_start3A_1100 = tpu.memref_slice %arg5[%add3A, %mul3A_24, %dma_start3A_1099] : memref<32x80x128xi32, #tpu.memory_space<hbm>> -> memref<1x8x128xi32, #tpu.memory_space<hbm>>
        %dma_start3A_1101 = tpu.memref_squeeze %dma_start3A_1100 : memref<1x8x128xi32, #tpu.memory_space<hbm>> -> memref<8x128xi32, #tpu.memory_space<hbm>>
        %dma_start3A_1102 = arith.constant 0 : i32
        %dma_start3A_1103 = tpu.memref_slice %arg5[%add3A, %mul3A_24, %dma_start3A_1102] : memref<32x80x128xi32, #tpu.memory_space<hbm>> -> memref<1x8x128xi32, #tpu.memory_space<hbm>>
        %dma_start3A_1104 = tpu.memref_squeeze %dma_start3A_1103 : memref<1x8x128xi32, #tpu.memory_space<hbm>> -> memref<8x128xi32, #tpu.memory_space<hbm>>
        tpu.enqueue_dma source(%dma_start3A_1104 : memref<8x128xi32, #tpu.memory_space<hbm>>) target(%arg11 : memref<8x128xi32, #tpu.memory_space<vmem>>) target_semaphore(%run_scoped3A_1098 : memref<!tpu.dma_semaphore, #tpu.memory_space<semaphore_mem>>)
        %dma_wait3A_1105 = arith.constant 0 : i32
        %dma_wait3A_1106 = tpu.memref_slice %arg5[%add3A, %mul3A_24, %dma_wait3A_1105] : memref<32x80x128xi32, #tpu.memory_space<hbm>> -> memref<1x8x128xi32, #tpu.memory_space<hbm>>
        %dma_wait3A_1107 = tpu.memref_squeeze %dma_wait3A_1106 : memref<1x8x128xi32, #tpu.memory_space<hbm>> -> memref<8x128xi32, #tpu.memory_space<hbm>>
        %dma_wait3A_1108 = arith.constant 0 : i32
        %dma_wait3A_1109 = tpu.memref_slice %arg5[%add3A, %mul3A_24, %dma_wait3A_1108] : memref<32x80x128xi32, #tpu.memory_space<hbm>> -> memref<1x8x128xi32, #tpu.memory_space<hbm>>
        %dma_wait3A_1110 = tpu.memref_squeeze %dma_wait3A_1109 : memref<1x8x128xi32, #tpu.memory_space<hbm>> -> memref<8x128xi32, #tpu.memory_space<hbm>>
        tpu.wait_dma2 semaphore(%run_scoped3A_1098 : memref<!tpu.dma_semaphore, #tpu.memory_space<semaphore_mem>>) src(%dma_wait3A_1110 : memref<8x128xi32, #tpu.memory_space<hbm>>) dst(%arg11 : memref<8x128xi32, #tpu.memory_space<vmem>>)
        tpu.yield
      }) : () -> ()
      %dma_start3A = arith.constant 0 : i32
      %dma_start3A_25 = arith.constant 0 : i32
      %dma_start3A_26 = tpu.memref_slice %arg10[%dma_start3A, %dma_start3A_25] : memref<8x128xi32, #tpu.memory_space<vmem>> -> memref<1x128xi32, #tpu.memory_space<vmem>>
      %dma_start3A_27 = tpu.memref_squeeze %dma_start3A_26 : memref<1x128xi32, #tpu.memory_space<vmem>> -> memref<128xi32, #tpu.memory_space<vmem>>
      %dma_start3A_28 = arith.constant 0 : i32
      %dma_start3A_29 = arith.constant 0 : i32
      %dma_start3A_30 = tpu.memref_slice %arg7[%dma_start3A_28, %dma_start3A_29] : memref<10000x128xf32, #tpu.memory_space<hbm>> -> memref<10000x128xf32, #tpu.memory_space<hbm>>
      tpu.enqueue_indirect_dma source(%dma_start3A_30 : memref<10000x128xf32, #tpu.memory_space<hbm>>) target(%arg13 : memref<128x128xf32, #tpu.memory_space<vmem>>) offsets(%dma_start3A_27 : memref<128xi32, #tpu.memory_space<vmem>>) semaphore(%arg18 : memref<!tpu.dma_semaphore, #tpu.memory_space<semaphore_mem>>)
      %get3A = arith.constant 0 : i32
      %get3A_31 = arith.index_cast %get3A : i32 to index
      %get3A_32 = arith.constant 0 : index
      %get3A_33 = tpu.vector_load %arg10[%get3A_31, %get3A_32] {strides = array<i32>} : memref<8x128xi32, #tpu.memory_space<vmem>>, vector<16xi32>,
      %get3A_34 = arith.constant 0 : i32
      %get3A_35 = arith.index_cast %get3A_34 : i32 to index
      %get3A_36 = arith.constant 0 : index
      %get3A_37 = tpu.vector_load %arg11[%get3A_35, %get3A_36] {strides = array<i32>} : memref<8x128xi32, #tpu.memory_space<vmem>>, vector<16xi32>,
      %gather3A = tpu.vector_load_idx %arg12[%get3A_33] : memref<10000xf32, #tpu.memory_space<vmem>>[vector<16xi32>], vector<16xf32>,
      %shift_right_arithmetic3A = arith.constant 7 : i32
      %shift_right_arithmetic3A_38 = vector.broadcast %shift_right_arithmetic3A : i32 to vector<16xi32>
      %shift_right_arithmetic3A_39 = arith.shrsi %get3A_37, %shift_right_arithmetic3A_38 : vector<16xi32>
      %and3A = arith.constant 127 : i32
      %and3A_40 = vector.broadcast %and3A : i32 to vector<16xi32>
      %and3A_41 = arith.andi %get3A_37, %and3A_40 : vector<16xi32>
      tpu.vector_store_idx %arg14[%shift_right_arithmetic3A_39, %and3A_41], %gather3A {add = true} : memref<80x128xf32, #tpu.memory_space<vmem>>[vector<16xi32>, vector<16xi32>], vector<16xf32>,
      %get3A_42 = arith.constant 0 : i32
      %get3A_43 = arith.index_cast %get3A_42 : i32 to index
      %get3A_44 = arith.constant 16 : index
      %get3A_45 = tpu.vector_load %arg10[%get3A_43, %get3A_44] {strides = array<i32>} : memref<8x128xi32, #tpu.memory_space<vmem>>, vector<16xi32>,
      %get3A_46 = arith.constant 0 : i32
      %get3A_47 = arith.index_cast %get3A_46 : i32 to index
      %get3A_48 = arith.constant 16 : index
      %get3A_49 = tpu.vector_load %arg11[%get3A_47, %get3A_48] {strides = array<i32>} : memref<8x128xi32, #tpu.memory_space<vmem>>, vector<16xi32>,
      %gather3A_50 = tpu.vector_load_idx %arg12[%get3A_45] : memref<10000xf32, #tpu.memory_space<vmem>>[vector<16xi32>], vector<16xf32>,
      %shift_right_arithmetic3A_51 = arith.constant 7 : i32
      %shift_right_arithmetic3A_52 = vector.broadcast %shift_right_arithmetic3A_51 : i32 to vector<16xi32>
      %shift_right_arithmetic3A_53 = arith.shrsi %get3A_49, %shift_right_arithmetic3A_52 : vector<16xi32>
      %and3A_54 = arith.constant 127 : i32
      %and3A_55 = vector.broadcast %and3A_54 : i32 to vector<16xi32>
      %and3A_56 = arith.andi %get3A_49, %and3A_55 : vector<16xi32>
      tpu.vector_store_idx %arg14[%shift_right_arithmetic3A_53, %and3A_56], %gather3A_50 {add = true} : memref<80x128xf32, #tpu.memory_space<vmem>>[vector<16xi32>, vector<16xi32>], vector<16xf32>,
      %get3A_57 = arith.constant 0 : i32
      %get3A_58 = arith.index_cast %get3A_57 : i32 to index
      %get3A_59 = arith.constant 32 : index
      %get3A_60 = tpu.vector_load %arg10[%get3A_58, %get3A_59] {strides = array<i32>} : memref<8x128xi32, #tpu.memory_space<vmem>>, vector<16xi32>,
      %get3A_61 = arith.constant 0 : i32
      %get3A_62 = arith.index_cast %get3A_61 : i32 to index
      %get3A_63 = arith.constant 32 : index
      %get3A_64 = tpu.vector_load %arg11[%get3A_62, %get3A_63] {strides = array<i32>} : memref<8x128xi32, #tpu.memory_space<vmem>>, vector<16xi32>,
      %gather3A_65 = tpu.vector_load_idx %arg12[%get3A_60] : memref<10000xf32, #tpu.memory_space<vmem>>[vector<16xi32>], vector<16xf32>,
      %shift_right_arithmetic3A_66 = arith.constant 7 : i32
      %shift_right_arithmetic3A_67 = vector.broadcast %shift_right_arithmetic3A_66 : i32 to vector<16xi32>
      %shift_right_arithmetic3A_68 = arith.shrsi %get3A_64, %shift_right_arithmetic3A_67 : vector<16xi32>
      %and3A_69 = arith.constant 127 : i32
      %and3A_70 = vector.broadcast %and3A_69 : i32 to vector<16xi32>
      %and3A_71 = arith.andi %get3A_64, %and3A_70 : vector<16xi32>
      tpu.vector_store_idx %arg14[%shift_right_arithmetic3A_68, %and3A_71], %gather3A_65 {add = true} : memref<80x128xf32, #tpu.memory_space<vmem>>[vector<16xi32>, vector<16xi32>], vector<16xf32>,
      %get3A_72 = arith.constant 0 : i32
      %get3A_73 = arith.index_cast %get3A_72 : i32 to index
      %get3A_74 = arith.constant 48 : index
      %get3A_75 = tpu.vector_load %arg10[%get3A_73, %get3A_74] {strides = array<i32>} : memref<8x128xi32, #tpu.memory_space<vmem>>, vector<16xi32>,
      %get3A_76 = arith.constant 0 : i32
      %get3A_77 = arith.index_cast %get3A_76 : i32 to index
      %get3A_78 = arith.constant 48 : index
      %get3A_79 = tpu.vector_load %arg11[%get3A_77, %get3A_78] {strides = array<i32>} : memref<8x128xi32, #tpu.memory_space<vmem>>, vector<16xi32>,
      %gather3A_80 = tpu.vector_load_idx %arg12[%get3A_75] : memref<10000xf32, #tpu.memory_space<vmem>>[vector<16xi32>], vector<16xf32>,
      %shift_right_arithmetic3A_81 = arith.constant 7 : i32
      %shift_right_arithmetic3A_82 = vector.broadcast %shift_right_arithmetic3A_81 : i32 to vector<16xi32>
      %shift_right_arithmetic3A_83 = arith.shrsi %get3A_79, %shift_right_arithmetic3A_82 : vector<16xi32>
      %and3A_84 = arith.constant 127 : i32
      %and3A_85 = vector.broadcast %and3A_84 : i32 to vector<16xi32>
      %and3A_86 = arith.andi %get3A_79, %and3A_85 : vector<16xi32>
      tpu.vector_store_idx %arg14[%shift_right_arithmetic3A_83, %and3A_86], %gather3A_80 {add = true} : memref<80x128xf32, #tpu.memory_space<vmem>>[vector<16xi32>, vector<16xi32>], vector<16xf32>,
      %get3A_87 = arith.constant 0 : i32
      %get3A_88 = arith.index_cast %get3A_87 : i32 to index
      %get3A_89 = arith.constant 64 : index
      %get3A_90 = tpu.vector_load %arg10[%get3A_88, %get3A_89] {strides = array<i32>} : memref<8x128xi32, #tpu.memory_space<vmem>>, vector<16xi32>,
      %get3A_91 = arith.constant 0 : i32
      %get3A_92 = arith.index_cast %get3A_91 : i32 to index
      %get3A_93 = arith.constant 64 : index
      %get3A_94 = tpu.vector_load %arg11[%get3A_92, %get3A_93] {strides = array<i32>} : memref<8x128xi32, #tpu.memory_space<vmem>>, vector<16xi32>,
      %gather3A_95 = tpu.vector_load_idx %arg12[%get3A_90] : memref<10000xf32, #tpu.memory_space<vmem>>[vector<16xi32>], vector<16xf32>,
      %shift_right_arithmetic3A_96 = arith.constant 7 : i32
      %shift_right_arithmetic3A_97 = vector.broadcast %shift_right_arithmetic3A_96 : i32 to vector<16xi32>
      %shift_right_arithmetic3A_98 = arith.shrsi %get3A_94, %shift_right_arithmetic3A_97 : vector<16xi32>
      %and3A_99 = arith.constant 127 : i32
      %and3A_100 = vector.broadcast %and3A_99 : i32 to vector<16xi32>
      %and3A_101 = arith.andi %get3A_94, %and3A_100 : vector<16xi32>
      tpu.vector_store_idx %arg14[%shift_right_arithmetic3A_98, %and3A_101], %gather3A_95 {add = true} : memref<80x128xf32, #tpu.memory_space<vmem>>[vector<16xi32>, vector<16xi32>], vector<16xf32>,
      %get3A_102 = arith.constant 0 : i32
      %get3A_103 = arith.index_cast %get3A_102 : i32 to index
      %get3A_104 = arith.constant 80 : index
      %get3A_105 = tpu.vector_load %arg10[%get3A_103, %get3A_104] {strides = array<i32>} : memref<8x128xi32, #tpu.memory_space<vmem>>, vector<16xi32>,
      %get3A_106 = arith.constant 0 : i32
      %get3A_107 = arith.index_cast %get3A_106 : i32 to index
      %get3A_108 = arith.constant 80 : index
      %get3A_109 = tpu.vector_load %arg11[%get3A_107, %get3A_108] {strides = array<i32>} : memref<8x128xi32, #tpu.memory_space<vmem>>, vector<16xi32>,
      %gather3A_110 = tpu.vector_load_idx %arg12[%get3A_105] : memref<10000xf32, #tpu.memory_space<vmem>>[vector<16xi32>], vector<16xf32>,
      %shift_right_arithmetic3A_111 = arith.constant 7 : i32
      %shift_right_arithmetic3A_112 = vector.broadcast %shift_right_arithmetic3A_111 : i32 to vector<16xi32>
      %shift_right_arithmetic3A_113 = arith.shrsi %get3A_109, %shift_right_arithmetic3A_112 : vector<16xi32>
      %and3A_114 = arith.constant 127 : i32
      %and3A_115 = vector.broadcast %and3A_114 : i32 to vector<16xi32>
      %and3A_116 = arith.andi %get3A_109, %and3A_115 : vector<16xi32>
      tpu.vector_store_idx %arg14[%shift_right_arithmetic3A_113, %and3A_116], %gather3A_110 {add = true} : memref<80x128xf32, #tpu.memory_space<vmem>>[vector<16xi32>, vector<16xi32>], vector<16xf32>,
      %get3A_117 = arith.constant 0 : i32
      %get3A_118 = arith.index_cast %get3A_117 : i32 to index
      %get3A_119 = arith.constant 96 : index
      %get3A_120 = tpu.vector_load %arg10[%get3A_118, %get3A_119] {strides = array<i32>} : memref<8x128xi32, #tpu.memory_space<vmem>>, vector<16xi32>,
      %get3A_121 = arith.constant 0 : i32
      %get3A_122 = arith.index_cast %get3A_121 : i32 to index
      %get3A_123 = arith.constant 96 : index
      %get3A_124 = tpu.vector_load %arg11[%get3A_122, %get3A_123] {strides = array<i32>} : memref<8x128xi32, #tpu.memory_space<vmem>>, vector<16xi32>,
      %gather3A_125 = tpu.vector_load_idx %arg12[%get3A_120] : memref<10000xf32, #tpu.memory_space<vmem>>[vector<16xi32>], vector<16xf32>,
      %shift_right_arithmetic3A_126 = arith.constant 7 : i32
      %shift_right_arithmetic3A_127 = vector.broadcast %shift_right_arithmetic3A_126 : i32 to vector<16xi32>
      %shift_right_arithmetic3A_128 = arith.shrsi %get3A_124, %shift_right_arithmetic3A_127 : vector<16xi32>
      %and3A_129 = arith.constant 127 : i32
      %and3A_130 = vector.broadcast %and3A_129 : i32 to vector<16xi32>
      %and3A_131 = arith.andi %get3A_124, %and3A_130 : vector<16xi32>
      tpu.vector_store_idx %arg14[%shift_right_arithmetic3A_128, %and3A_131], %gather3A_125 {add = true} : memref<80x128xf32, #tpu.memory_space<vmem>>[vector<16xi32>, vector<16xi32>], vector<16xf32>,
      %get3A_132 = arith.constant 0 : i32
      %get3A_133 = arith.index_cast %get3A_132 : i32 to index
      %get3A_134 = arith.constant 112 : index
      %get3A_135 = tpu.vector_load %arg10[%get3A_133, %get3A_134] {strides = array<i32>} : memref<8x128xi32, #tpu.memory_space<vmem>>, vector<16xi32>,
      %get3A_136 = arith.constant 0 : i32
      %get3A_137 = arith.index_cast %get3A_136 : i32 to index
      %get3A_138 = arith.constant 112 : index
      %get3A_139 = tpu.vector_load %arg11[%get3A_137, %get3A_138] {strides = array<i32>} : memref<8x128xi32, #tpu.memory_space<vmem>>, vector<16xi32>,
      %gather3A_140 = tpu.vector_load_idx %arg12[%get3A_135] : memref<10000xf32, #tpu.memory_space<vmem>>[vector<16xi32>], vector<16xf32>,
      %shift_right_arithmetic3A_141 = arith.constant 7 : i32
      %shift_right_arithmetic3A_142 = vector.broadcast %shift_right_arithmetic3A_141 : i32 to vector<16xi32>
      %shift_right_arithmetic3A_143 = arith.shrsi %get3A_139, %shift_right_arithmetic3A_142 : vector<16xi32>
      %and3A_144 = arith.constant 127 : i32
      %and3A_145 = vector.broadcast %and3A_144 : i32 to vector<16xi32>
      %and3A_146 = arith.andi %get3A_139, %and3A_145 : vector<16xi32>
      tpu.vector_store_idx %arg14[%shift_right_arithmetic3A_143, %and3A_146], %gather3A_140 {add = true} : memref<80x128xf32, #tpu.memory_space<vmem>>[vector<16xi32>, vector<16xi32>], vector<16xf32>,
      %dma_wait3A = arith.constant 0 : i32
      %dma_wait3A_147 = arith.constant 0 : i32
      %dma_wait3A_148 = tpu.memref_slice %arg10[%dma_wait3A, %dma_wait3A_147] : memref<8x128xi32, #tpu.memory_space<vmem>> -> memref<1x128xi32, #tpu.memory_space<vmem>>
      %dma_wait3A_149 = tpu.memref_squeeze %dma_wait3A_148 : memref<1x128xi32, #tpu.memory_space<vmem>> -> memref<128xi32, #tpu.memory_space<vmem>>
      %dma_wait3A_150 = arith.constant 0 : i32
      %dma_wait3A_151 = arith.constant 0 : i32
      %dma_wait3A_152 = tpu.memref_slice %arg7[%dma_wait3A_150, %dma_wait3A_151] : memref<10000x128xf32, #tpu.memory_space<hbm>> -> memref<10000x128xf32, #tpu.memory_space<hbm>>
      tpu.wait_indirect_dma semaphore(%arg18 : memref<!tpu.dma_semaphore, #tpu.memory_space<semaphore_mem>>) src(%dma_wait3A_152 : memref<10000x128xf32, #tpu.memory_space<hbm>>) dst(%arg13 : memref<128x128xf32, #tpu.memory_space<vmem>>)
      %run_scoped3A = arith.constant 0 : i32
      "tpu.region"() ({
        %run_scoped3A_1098 = tpu.sem_alloc : memref<!tpu.dma_semaphore, #tpu.memory_space<semaphore_mem>>
        %dma_start3A_1099 = arith.constant 0 : i32
        %dma_start3A_1100 = tpu.memref_slice %arg11[%run_scoped3A, %dma_start3A_1099] : memref<8x128xi32, #tpu.memory_space<vmem>> -> memref<1x128xi32, #tpu.memory_space<vmem>>
        %dma_start3A_1101 = tpu.memref_squeeze %dma_start3A_1100 : memref<1x128xi32, #tpu.memory_space<vmem>> -> memref<128xi32, #tpu.memory_space<vmem>>
        %dma_start3A_1102 = arith.constant 0 : i32
        %dma_start3A_1103 = arith.constant 0 : i32
        %dma_start3A_1104 = tpu.memref_slice %arg16[%dma_start3A_1102, %dma_start3A_1103] : memref<10240x128xf32, #tpu.memory_space<vmem_shared>> -> memref<10240x128xf32, #tpu.memory_space<vmem_shared>>
        tpu.enqueue_indirect_dma source(%arg13 : memref<128x128xf32, #tpu.memory_space<vmem>>) target(%dma_start3A_1104 : memref<10240x128xf32, #tpu.memory_space<vmem_shared>>) offsets(%dma_start3A_1101 : memref<128xi32, #tpu.memory_space<vmem>>) semaphore(%run_scoped3A_1098 : memref<!tpu.dma_semaphore, #tpu.memory_space<semaphore_mem>>) {add = true}
        %dma_wait3A_1105 = arith.constant 0 : i32
        %dma_wait3A_1106 = tpu.memref_slice %arg11[%run_scoped3A, %dma_wait3A_1105] : memref<8x128xi32, #tpu.memory_space<vmem>> -> memref<1x128xi32, #tpu.memory_space<vmem>>
        %dma_wait3A_1107 = tpu.memref_squeeze %dma_wait3A_1106 : memref<1x128xi32, #tpu.memory_space<vmem>> -> memref<128xi32, #tpu.memory_space<vmem>>
        %dma_wait3A_1108 = arith.constant 0 : i32
        %dma_wait3A_1109 = arith.constant 0 : i32
        %dma_wait3A_1110 = tpu.memref_slice %arg16[%dma_wait3A_1108, %dma_wait3A_1109] : memref<10240x128xf32, #tpu.memory_space<vmem_shared>> -> memref<10240x128xf32, #tpu.memory_space<vmem_shared>>
        tpu.wait_indirect_dma semaphore(%run_scoped3A_1098 : memref<!tpu.dma_semaphore, #tpu.memory_space<semaphore_mem>>) src(%arg13 : memref<128x128xf32, #tpu.memory_space<vmem>>) dst(%dma_wait3A_1110 : memref<10240x128xf32, #tpu.memory_space<vmem_shared>>)
        tpu.yield
      }) : () -> ()
      %dma_start3A_153 = arith.constant 1 : i32
      %dma_start3A_154 = arith.constant 0 : i32
      %dma_start3A_155 = tpu.memref_slice %arg10[%dma_start3A_153, %dma_start3A_154] : memref<8x128xi32, #tpu.memory_space<vmem>> -> memref<1x128xi32, #tpu.memory_space<vmem>>
      %dma_start3A_156 = tpu.memref_squeeze %dma_start3A_155 : memref<1x128xi32, #tpu.memory_space<vmem>> -> memref<128xi32, #tpu.memory_space<vmem>>
      %dma_start3A_157 = arith.constant 0 : i32
      %dma_start3A_158 = arith.constant 0 : i32
      %dma_start3A_159 = tpu.memref_slice %arg7[%dma_start3A_157, %dma_start3A_158] : memref<10000x128xf32, #tpu.memory_space<hbm>> -> memref<10000x128xf32, #tpu.memory_space<hbm>>
      tpu.enqueue_indirect_dma source(%dma_start3A_159 : memref<10000x128xf32, #tpu.memory_space<hbm>>) target(%arg13 : memref<128x128xf32, #tpu.memory_space<vmem>>) offsets(%dma_start3A_156 : memref<128xi32, #tpu.memory_space<vmem>>) semaphore(%arg18 : memref<!tpu.dma_semaphore, #tpu.memory_space<semaphore_mem>>)
      %get3A_160 = arith.constant 1 : i32
      %get3A_161 = arith.index_cast %get3A_160 : i32 to index
      %get3A_162 = arith.constant 0 : index
      %get3A_163 = tpu.vector_load %arg10[%get3A_161, %get3A_162] {strides = array<i32>} : memref<8x128xi32, #tpu.memory_space<vmem>>, vector<16xi32>,
      %get3A_164 = arith.constant 1 : i32
      %get3A_165 = arith.index_cast %get3A_164 : i32 to index
      %get3A_166 = arith.constant 0 : index
      %get3A_167 = tpu.vector_load %arg11[%get3A_165, %get3A_166] {strides = array<i32>} : memref<8x128xi32, #tpu.memory_space<vmem>>, vector<16xi32>,
      %gather3A_168 = tpu.vector_load_idx %arg12[%get3A_163] : memref<10000xf32, #tpu.memory_space<vmem>>[vector<16xi32>], vector<16xf32>,
      %shift_right_arithmetic3A_169 = arith.constant 7 : i32
      %shift_right_arithmetic3A_170 = vector.broadcast %shift_right_arithmetic3A_169 : i32 to vector<16xi32>
      %shift_right_arithmetic3A_171 = arith.shrsi %get3A_167, %shift_right_arithmetic3A_170 : vector<16xi32>
      %and3A_172 = arith.constant 127 : i32
      %and3A_173 = vector.broadcast %and3A_172 : i32 to vector<16xi32>
      %and3A_174 = arith.andi %get3A_167, %and3A_173 : vector<16xi32>
      tpu.vector_store_idx %arg14[%shift_right_arithmetic3A_171, %and3A_174], %gather3A_168 {add = true} : memref<80x128xf32, #tpu.memory_space<vmem>>[vector<16xi32>, vector<16xi32>], vector<16xf32>,
      %get3A_175 = arith.constant 1 : i32
      %get3A_176 = arith.index_cast %get3A_175 : i32 to index
      %get3A_177 = arith.constant 16 : index
      %get3A_178 = tpu.vector_load %arg10[%get3A_176, %get3A_177] {strides = array<i32>} : memref<8x128xi32, #tpu.memory_space<vmem>>, vector<16xi32>,
      %get3A_179 = arith.constant 1 : i32
      %get3A_180 = arith.index_cast %get3A_179 : i32 to index
      %get3A_181 = arith.constant 16 : index
      %get3A_182 = tpu.vector_load %arg11[%get3A_180, %get3A_181] {strides = array<i32>} : memref<8x128xi32, #tpu.memory_space<vmem>>, vector<16xi32>,
      %gather3A_183 = tpu.vector_load_idx %arg12[%get3A_178] : memref<10000xf32, #tpu.memory_space<vmem>>[vector<16xi32>], vector<16xf32>,
      %shift_right_arithmetic3A_184 = arith.constant 7 : i32
      %shift_right_arithmetic3A_185 = vector.broadcast %shift_right_arithmetic3A_184 : i32 to vector<16xi32>
      %shift_right_arithmetic3A_186 = arith.shrsi %get3A_182, %shift_right_arithmetic3A_185 : vector<16xi32>
      %and3A_187 = arith.constant 127 : i32
      %and3A_188 = vector.broadcast %and3A_187 : i32 to vector<16xi32>
      %and3A_189 = arith.andi %get3A_182, %and3A_188 : vector<16xi32>
      tpu.vector_store_idx %arg14[%shift_right_arithmetic3A_186, %and3A_189], %gather3A_183 {add = true} : memref<80x128xf32, #tpu.memory_space<vmem>>[vector<16xi32>, vector<16xi32>], vector<16xf32>,
      %get3A_190 = arith.constant 1 : i32
      %get3A_191 = arith.index_cast %get3A_190 : i32 to index
      %get3A_192 = arith.constant 32 : index
      %get3A_193 = tpu.vector_load %arg10[%get3A_191, %get3A_192] {strides = array<i32>} : memref<8x128xi32, #tpu.memory_space<vmem>>, vector<16xi32>,
      %get3A_194 = arith.constant 1 : i32
      %get3A_195 = arith.index_cast %get3A_194 : i32 to index
      %get3A_196 = arith.constant 32 : index
      %get3A_197 = tpu.vector_load %arg11[%get3A_195, %get3A_196] {strides = array<i32>} : memref<8x128xi32, #tpu.memory_space<vmem>>, vector<16xi32>,
      %gather3A_198 = tpu.vector_load_idx %arg12[%get3A_193] : memref<10000xf32, #tpu.memory_space<vmem>>[vector<16xi32>], vector<16xf32>,
      %shift_right_arithmetic3A_199 = arith.constant 7 : i32
      %shift_right_arithmetic3A_200 = vector.broadcast %shift_right_arithmetic3A_199 : i32 to vector<16xi32>
      %shift_right_arithmetic3A_201 = arith.shrsi %get3A_197, %shift_right_arithmetic3A_200 : vector<16xi32>
      %and3A_202 = arith.constant 127 : i32
      %and3A_203 = vector.broadcast %and3A_202 : i32 to vector<16xi32>
      %and3A_204 = arith.andi %get3A_197, %and3A_203 : vector<16xi32>
      tpu.vector_store_idx %arg14[%shift_right_arithmetic3A_201, %and3A_204], %gather3A_198 {add = true} : memref<80x128xf32, #tpu.memory_space<vmem>>[vector<16xi32>, vector<16xi32>], vector<16xf32>,
      %get3A_205 = arith.constant 1 : i32
      %get3A_206 = arith.index_cast %get3A_205 : i32 to index
      %get3A_207 = arith.constant 48 : index
      %get3A_208 = tpu.vector_load %arg10[%get3A_206, %get3A_207] {strides = array<i32>} : memref<8x128xi32, #tpu.memory_space<vmem>>, vector<16xi32>,
      %get3A_209 = arith.constant 1 : i32
      %get3A_210 = arith.index_cast %get3A_209 : i32 to index
      %get3A_211 = arith.constant 48 : index
      %get3A_212 = tpu.vector_load %arg11[%get3A_210, %get3A_211] {strides = array<i32>} : memref<8x128xi32, #tpu.memory_space<vmem>>, vector<16xi32>,
      %gather3A_213 = tpu.vector_load_idx %arg12[%get3A_208] : memref<10000xf32, #tpu.memory_space<vmem>>[vector<16xi32>], vector<16xf32>,
      %shift_right_arithmetic3A_214 = arith.constant 7 : i32
      %shift_right_arithmetic3A_215 = vector.broadcast %shift_right_arithmetic3A_214 : i32 to vector<16xi32>
      %shift_right_arithmetic3A_216 = arith.shrsi %get3A_212, %shift_right_arithmetic3A_215 : vector<16xi32>
      %and3A_217 = arith.constant 127 : i32
      %and3A_218 = vector.broadcast %and3A_217 : i32 to vector<16xi32>
      %and3A_219 = arith.andi %get3A_212, %and3A_218 : vector<16xi32>
      tpu.vector_store_idx %arg14[%shift_right_arithmetic3A_216, %and3A_219], %gather3A_213 {add = true} : memref<80x128xf32, #tpu.memory_space<vmem>>[vector<16xi32>, vector<16xi32>], vector<16xf32>,
      %get3A_220 = arith.constant 1 : i32
      %get3A_221 = arith.index_cast %get3A_220 : i32 to index
      %get3A_222 = arith.constant 64 : index
      %get3A_223 = tpu.vector_load %arg10[%get3A_221, %get3A_222] {strides = array<i32>} : memref<8x128xi32, #tpu.memory_space<vmem>>, vector<16xi32>,
      %get3A_224 = arith.constant 1 : i32
      %get3A_225 = arith.index_cast %get3A_224 : i32 to index
      %get3A_226 = arith.constant 64 : index
      %get3A_227 = tpu.vector_load %arg11[%get3A_225, %get3A_226] {strides = array<i32>} : memref<8x128xi32, #tpu.memory_space<vmem>>, vector<16xi32>,
      %gather3A_228 = tpu.vector_load_idx %arg12[%get3A_223] : memref<10000xf32, #tpu.memory_space<vmem>>[vector<16xi32>], vector<16xf32>,
      %shift_right_arithmetic3A_229 = arith.constant 7 : i32
      %shift_right_arithmetic3A_230 = vector.broadcast %shift_right_arithmetic3A_229 : i32 to vector<16xi32>
      %shift_right_arithmetic3A_231 = arith.shrsi %get3A_227, %shift_right_arithmetic3A_230 : vector<16xi32>
      %and3A_232 = arith.constant 127 : i32
      %and3A_233 = vector.broadcast %and3A_232 : i32 to vector<16xi32>
      %and3A_234 = arith.andi %get3A_227, %and3A_233 : vector<16xi32>
      tpu.vector_store_idx %arg14[%shift_right_arithmetic3A_231, %and3A_234], %gather3A_228 {add = true} : memref<80x128xf32, #tpu.memory_space<vmem>>[vector<16xi32>, vector<16xi32>], vector<16xf32>,
      %get3A_235 = arith.constant 1 : i32
      %get3A_236 = arith.index_cast %get3A_235 : i32 to index
      %get3A_237 = arith.constant 80 : index
      %get3A_238 = tpu.vector_load %arg10[%get3A_236, %get3A_237] {strides = array<i32>} : memref<8x128xi32, #tpu.memory_space<vmem>>, vector<16xi32>,
      %get3A_239 = arith.constant 1 : i32
      %get3A_240 = arith.index_cast %get3A_239 : i32 to index
      %get3A_241 = arith.constant 80 : index
      %get3A_242 = tpu.vector_load %arg11[%get3A_240, %get3A_241] {strides = array<i32>} : memref<8x128xi32, #tpu.memory_space<vmem>>, vector<16xi32>,
      %gather3A_243 = tpu.vector_load_idx %arg12[%get3A_238] : memref<10000xf32, #tpu.memory_space<vmem>>[vector<16xi32>], vector<16xf32>,
      %shift_right_arithmetic3A_244 = arith.constant 7 : i32
      %shift_right_arithmetic3A_245 = vector.broadcast %shift_right_arithmetic3A_244 : i32 to vector<16xi32>
      %shift_right_arithmetic3A_246 = arith.shrsi %get3A_242, %shift_right_arithmetic3A_245 : vector<16xi32>
      %and3A_247 = arith.constant 127 : i32
      %and3A_248 = vector.broadcast %and3A_247 : i32 to vector<16xi32>
      %and3A_249 = arith.andi %get3A_242, %and3A_248 : vector<16xi32>
      tpu.vector_store_idx %arg14[%shift_right_arithmetic3A_246, %and3A_249], %gather3A_243 {add = true} : memref<80x128xf32, #tpu.memory_space<vmem>>[vector<16xi32>, vector<16xi32>], vector<16xf32>,
      %get3A_250 = arith.constant 1 : i32
      %get3A_251 = arith.index_cast %get3A_250 : i32 to index
      %get3A_252 = arith.constant 96 : index
      %get3A_253 = tpu.vector_load %arg10[%get3A_251, %get3A_252] {strides = array<i32>} : memref<8x128xi32, #tpu.memory_space<vmem>>, vector<16xi32>,
      %get3A_254 = arith.constant 1 : i32
      %get3A_255 = arith.index_cast %get3A_254 : i32 to index
      %get3A_256 = arith.constant 96 : index
      %get3A_257 = tpu.vector_load %arg11[%get3A_255, %get3A_256] {strides = array<i32>} : memref<8x128xi32, #tpu.memory_space<vmem>>, vector<16xi32>,
      %gather3A_258 = tpu.vector_load_idx %arg12[%get3A_253] : memref<10000xf32, #tpu.memory_space<vmem>>[vector<16xi32>], vector<16xf32>,
      %shift_right_arithmetic3A_259 = arith.constant 7 : i32
      %shift_right_arithmetic3A_260 = vector.broadcast %shift_right_arithmetic3A_259 : i32 to vector<16xi32>
      %shift_right_arithmetic3A_261 = arith.shrsi %get3A_257, %shift_right_arithmetic3A_260 : vector<16xi32>
      %and3A_262 = arith.constant 127 : i32
      %and3A_263 = vector.broadcast %and3A_262 : i32 to vector<16xi32>
      %and3A_264 = arith.andi %get3A_257, %and3A_263 : vector<16xi32>
      tpu.vector_store_idx %arg14[%shift_right_arithmetic3A_261, %and3A_264], %gather3A_258 {add = true} : memref<80x128xf32, #tpu.memory_space<vmem>>[vector<16xi32>, vector<16xi32>], vector<16xf32>,
      %get3A_265 = arith.constant 1 : i32
      %get3A_266 = arith.index_cast %get3A_265 : i32 to index
      %get3A_267 = arith.constant 112 : index
      %get3A_268 = tpu.vector_load %arg10[%get3A_266, %get3A_267] {strides = array<i32>} : memref<8x128xi32, #tpu.memory_space<vmem>>, vector<16xi32>,
      %get3A_269 = arith.constant 1 : i32
      %get3A_270 = arith.index_cast %get3A_269 : i32 to index
      %get3A_271 = arith.constant 112 : index
      %get3A_272 = tpu.vector_load %arg11[%get3A_270, %get3A_271] {strides = array<i32>} : memref<8x128xi32, #tpu.memory_space<vmem>>, vector<16xi32>,
      %gather3A_273 = tpu.vector_load_idx %arg12[%get3A_268] : memref<10000xf32, #tpu.memory_space<vmem>>[vector<16xi32>], vector<16xf32>,
      %shift_right_arithmetic3A_274 = arith.constant 7 : i32
      %shift_right_arithmetic3A_275 = vector.broadcast %shift_right_arithmetic3A_274 : i32 to vector<16xi32>
      %shift_right_arithmetic3A_276 = arith.shrsi %get3A_272, %shift_right_arithmetic3A_275 : vector<16xi32>
      %and3A_277 = arith.constant 127 : i32
      %and3A_278 = vector.broadcast %and3A_277 : i32 to vector<16xi32>
      %and3A_279 = arith.andi %get3A_272, %and3A_278 : vector<16xi32>
      tpu.vector_store_idx %arg14[%shift_right_arithmetic3A_276, %and3A_279], %gather3A_273 {add = true} : memref<80x128xf32, #tpu.memory_space<vmem>>[vector<16xi32>, vector<16xi32>], vector<16xf32>,
      %dma_wait3A_280 = arith.constant 1 : i32
      %dma_wait3A_281 = arith.constant 0 : i32
      %dma_wait3A_282 = tpu.memref_slice %arg10[%dma_wait3A_280, %dma_wait3A_281] : memref<8x128xi32, #tpu.memory_space<vmem>> -> memref<1x128xi32, #tpu.memory_space<vmem>>
      %dma_wait3A_283 = tpu.memref_squeeze %dma_wait3A_282 : memref<1x128xi32, #tpu.memory_space<vmem>> -> memref<128xi32, #tpu.memory_space<vmem>>
      %dma_wait3A_284 = arith.constant 0 : i32
      %dma_wait3A_285 = arith.constant 0 : i32
      %dma_wait3A_286 = tpu.memref_slice %arg7[%dma_wait3A_284, %dma_wait3A_285] : memref<10000x128xf32, #tpu.memory_space<hbm>> -> memref<10000x128xf32, #tpu.memory_space<hbm>>
      tpu.wait_indirect_dma semaphore(%arg18 : memref<!tpu.dma_semaphore, #tpu.memory_space<semaphore_mem>>) src(%dma_wait3A_286 : memref<10000x128xf32, #tpu.memory_space<hbm>>) dst(%arg13 : memref<128x128xf32, #tpu.memory_space<vmem>>)
      %run_scoped3A_287 = arith.constant 1 : i32
      "tpu.region"() ({
        %run_scoped3A_1098 = tpu.sem_alloc : memref<!tpu.dma_semaphore, #tpu.memory_space<semaphore_mem>>
        %dma_start3A_1099 = arith.constant 0 : i32
        %dma_start3A_1100 = tpu.memref_slice %arg11[%run_scoped3A_287, %dma_start3A_1099] : memref<8x128xi32, #tpu.memory_space<vmem>> -> memref<1x128xi32, #tpu.memory_space<vmem>>
        %dma_start3A_1101 = tpu.memref_squeeze %dma_start3A_1100 : memref<1x128xi32, #tpu.memory_space<vmem>> -> memref<128xi32, #tpu.memory_space<vmem>>
        %dma_start3A_1102 = arith.constant 0 : i32
        %dma_start3A_1103 = arith.constant 0 : i32
        %dma_start3A_1104 = tpu.memref_slice %arg16[%dma_start3A_1102, %dma_start3A_1103] : memref<10240x128xf32, #tpu.memory_space<vmem_shared>> -> memref<10240x128xf32, #tpu.memory_space<vmem_shared>>
        tpu.enqueue_indirect_dma source(%arg13 : memref<128x128xf32, #tpu.memory_space<vmem>>) target(%dma_start3A_1104 : memref<10240x128xf32, #tpu.memory_space<vmem_shared>>) offsets(%dma_start3A_1101 : memref<128xi32, #tpu.memory_space<vmem>>) semaphore(%run_scoped3A_1098 : memref<!tpu.dma_semaphore, #tpu.memory_space<semaphore_mem>>) {add = true}
        %dma_wait3A_1105 = arith.constant 0 : i32
        %dma_wait3A_1106 = tpu.memref_slice %arg11[%run_scoped3A_287, %dma_wait3A_1105] : memref<8x128xi32, #tpu.memory_space<vmem>> -> memref<1x128xi32, #tpu.memory_space<vmem>>
        %dma_wait3A_1107 = tpu.memref_squeeze %dma_wait3A_1106 : memref<1x128xi32, #tpu.memory_space<vmem>> -> memref<128xi32, #tpu.memory_space<vmem>>
        %dma_wait3A_1108 = arith.constant 0 : i32
        %dma_wait3A_1109 = arith.constant 0 : i32
        %dma_wait3A_1110 = tpu.memref_slice %arg16[%dma_wait3A_1108, %dma_wait3A_1109] : memref<10240x128xf32, #tpu.memory_space<vmem_shared>> -> memref<10240x128xf32, #tpu.memory_space<vmem_shared>>
        tpu.wait_indirect_dma semaphore(%run_scoped3A_1098 : memref<!tpu.dma_semaphore, #tpu.memory_space<semaphore_mem>>) src(%arg13 : memref<128x128xf32, #tpu.memory_space<vmem>>) dst(%dma_wait3A_1110 : memref<10240x128xf32, #tpu.memory_space<vmem_shared>>)
        tpu.yield
      }) : () -> ()
      %dma_start3A_288 = arith.constant 2 : i32
      %dma_start3A_289 = arith.constant 0 : i32
      %dma_start3A_290 = tpu.memref_slice %arg10[%dma_start3A_288, %dma_start3A_289] : memref<8x128xi32, #tpu.memory_space<vmem>> -> memref<1x128xi32, #tpu.memory_space<vmem>>
      %dma_start3A_291 = tpu.memref_squeeze %dma_start3A_290 : memref<1x128xi32, #tpu.memory_space<vmem>> -> memref<128xi32, #tpu.memory_space<vmem>>
      %dma_start3A_292 = arith.constant 0 : i32
      %dma_start3A_293 = arith.constant 0 : i32
      %dma_start3A_294 = tpu.memref_slice %arg7[%dma_start3A_292, %dma_start3A_293] : memref<10000x128xf32, #tpu.memory_space<hbm>> -> memref<10000x128xf32, #tpu.memory_space<hbm>>
      tpu.enqueue_indirect_dma source(%dma_start3A_294 : memref<10000x128xf32, #tpu.memory_space<hbm>>) target(%arg13 : memref<128x128xf32, #tpu.memory_space<vmem>>) offsets(%dma_start3A_291 : memref<128xi32, #tpu.memory_space<vmem>>) semaphore(%arg18 : memref<!tpu.dma_semaphore, #tpu.memory_space<semaphore_mem>>)
      %get3A_295 = arith.constant 2 : i32
      %get3A_296 = arith.index_cast %get3A_295 : i32 to index
      %get3A_297 = arith.constant 0 : index
      %get3A_298 = tpu.vector_load %arg10[%get3A_296, %get3A_297] {strides = array<i32>} : memref<8x128xi32, #tpu.memory_space<vmem>>, vector<16xi32>,
      %get3A_299 = arith.constant 2 : i32
      %get3A_300 = arith.index_cast %get3A_299 : i32 to index
      %get3A_301 = arith.constant 0 : index
      %get3A_302 = tpu.vector_load %arg11[%get3A_300, %get3A_301] {strides = array<i32>} : memref<8x128xi32, #tpu.memory_space<vmem>>, vector<16xi32>,
      %gather3A_303 = tpu.vector_load_idx %arg12[%get3A_298] : memref<10000xf32, #tpu.memory_space<vmem>>[vector<16xi32>], vector<16xf32>,
      %shift_right_arithmetic3A_304 = arith.constant 7 : i32
      %shift_right_arithmetic3A_305 = vector.broadcast %shift_right_arithmetic3A_304 : i32 to vector<16xi32>
      %shift_right_arithmetic3A_306 = arith.shrsi %get3A_302, %shift_right_arithmetic3A_305 : vector<16xi32>
      %and3A_307 = arith.constant 127 : i32
      %and3A_308 = vector.broadcast %and3A_307 : i32 to vector<16xi32>
      %and3A_309 = arith.andi %get3A_302, %and3A_308 : vector<16xi32>
      tpu.vector_store_idx %arg14[%shift_right_arithmetic3A_306, %and3A_309], %gather3A_303 {add = true} : memref<80x128xf32, #tpu.memory_space<vmem>>[vector<16xi32>, vector<16xi32>], vector<16xf32>,
      %get3A_310 = arith.constant 2 : i32
      %get3A_311 = arith.index_cast %get3A_310 : i32 to index
      %get3A_312 = arith.constant 16 : index
      %get3A_313 = tpu.vector_load %arg10[%get3A_311, %get3A_312] {strides = array<i32>} : memref<8x128xi32, #tpu.memory_space<vmem>>, vector<16xi32>,
      %get3A_314 = arith.constant 2 : i32
      %get3A_315 = arith.index_cast %get3A_314 : i32 to index
      %get3A_316 = arith.constant 16 : index
      %get3A_317 = tpu.vector_load %arg11[%get3A_315, %get3A_316] {strides = array<i32>} : memref<8x128xi32, #tpu.memory_space<vmem>>, vector<16xi32>,
      %gather3A_318 = tpu.vector_load_idx %arg12[%get3A_313] : memref<10000xf32, #tpu.memory_space<vmem>>[vector<16xi32>], vector<16xf32>,
      %shift_right_arithmetic3A_319 = arith.constant 7 : i32
      %shift_right_arithmetic3A_320 = vector.broadcast %shift_right_arithmetic3A_319 : i32 to vector<16xi32>
      %shift_right_arithmetic3A_321 = arith.shrsi %get3A_317, %shift_right_arithmetic3A_320 : vector<16xi32>
      %and3A_322 = arith.constant 127 : i32
      %and3A_323 = vector.broadcast %and3A_322 : i32 to vector<16xi32>
      %and3A_324 = arith.andi %get3A_317, %and3A_323 : vector<16xi32>
      tpu.vector_store_idx %arg14[%shift_right_arithmetic3A_321, %and3A_324], %gather3A_318 {add = true} : memref<80x128xf32, #tpu.memory_space<vmem>>[vector<16xi32>, vector<16xi32>], vector<16xf32>,
      %get3A_325 = arith.constant 2 : i32
      %get3A_326 = arith.index_cast %get3A_325 : i32 to index
      %get3A_327 = arith.constant 32 : index
      %get3A_328 = tpu.vector_load %arg10[%get3A_326, %get3A_327] {strides = array<i32>} : memref<8x128xi32, #tpu.memory_space<vmem>>, vector<16xi32>,
      %get3A_329 = arith.constant 2 : i32
      %get3A_330 = arith.index_cast %get3A_329 : i32 to index
      %get3A_331 = arith.constant 32 : index
      %get3A_332 = tpu.vector_load %arg11[%get3A_330, %get3A_331] {strides = array<i32>} : memref<8x128xi32, #tpu.memory_space<vmem>>, vector<16xi32>,
      %gather3A_333 = tpu.vector_load_idx %arg12[%get3A_328] : memref<10000xf32, #tpu.memory_space<vmem>>[vector<16xi32>], vector<16xf32>,
      %shift_right_arithmetic3A_334 = arith.constant 7 : i32
      %shift_right_arithmetic3A_335 = vector.broadcast %shift_right_arithmetic3A_334 : i32 to vector<16xi32>
      %shift_right_arithmetic3A_336 = arith.shrsi %get3A_332, %shift_right_arithmetic3A_335 : vector<16xi32>
      %and3A_337 = arith.constant 127 : i32
      %and3A_338 = vector.broadcast %and3A_337 : i32 to vector<16xi32>
      %and3A_339 = arith.andi %get3A_332, %and3A_338 : vector<16xi32>
      tpu.vector_store_idx %arg14[%shift_right_arithmetic3A_336, %and3A_339], %gather3A_333 {add = true} : memref<80x128xf32, #tpu.memory_space<vmem>>[vector<16xi32>, vector<16xi32>], vector<16xf32>,
      %get3A_340 = arith.constant 2 : i32
      %get3A_341 = arith.index_cast %get3A_340 : i32 to index
      %get3A_342 = arith.constant 48 : index
      %get3A_343 = tpu.vector_load %arg10[%get3A_341, %get3A_342] {strides = array<i32>} : memref<8x128xi32, #tpu.memory_space<vmem>>, vector<16xi32>,
      %get3A_344 = arith.constant 2 : i32
      %get3A_345 = arith.index_cast %get3A_344 : i32 to index
      %get3A_346 = arith.constant 48 : index
      %get3A_347 = tpu.vector_load %arg11[%get3A_345, %get3A_346] {strides = array<i32>} : memref<8x128xi32, #tpu.memory_space<vmem>>, vector<16xi32>,
      %gather3A_348 = tpu.vector_load_idx %arg12[%get3A_343] : memref<10000xf32, #tpu.memory_space<vmem>>[vector<16xi32>], vector<16xf32>,
      %shift_right_arithmetic3A_349 = arith.constant 7 : i32
      %shift_right_arithmetic3A_350 = vector.broadcast %shift_right_arithmetic3A_349 : i32 to vector<16xi32>
      %shift_right_arithmetic3A_351 = arith.shrsi %get3A_347, %shift_right_arithmetic3A_350 : vector<16xi32>
      %and3A_352 = arith.constant 127 : i32
      %and3A_353 = vector.broadcast %and3A_352 : i32 to vector<16xi32>
      %and3A_354 = arith.andi %get3A_347, %and3A_353 : vector<16xi32>
      tpu.vector_store_idx %arg14[%shift_right_arithmetic3A_351, %and3A_354], %gather3A_348 {add = true} : memref<80x128xf32, #tpu.memory_space<vmem>>[vector<16xi32>, vector<16xi32>], vector<16xf32>,
      %get3A_355 = arith.constant 2 : i32
      %get3A_356 = arith.index_cast %get3A_355 : i32 to index
      %get3A_357 = arith.constant 64 : index
      %get3A_358 = tpu.vector_load %arg10[%get3A_356, %get3A_357] {strides = array<i32>} : memref<8x128xi32, #tpu.memory_space<vmem>>, vector<16xi32>,
      %get3A_359 = arith.constant 2 : i32
      %get3A_360 = arith.index_cast %get3A_359 : i32 to index
      %get3A_361 = arith.constant 64 : index
      %get3A_362 = tpu.vector_load %arg11[%get3A_360, %get3A_361] {strides = array<i32>} : memref<8x128xi32, #tpu.memory_space<vmem>>, vector<16xi32>,
      %gather3A_363 = tpu.vector_load_idx %arg12[%get3A_358] : memref<10000xf32, #tpu.memory_space<vmem>>[vector<16xi32>], vector<16xf32>,
      %shift_right_arithmetic3A_364 = arith.constant 7 : i32
      %shift_right_arithmetic3A_365 = vector.broadcast %shift_right_arithmetic3A_364 : i32 to vector<16xi32>
      %shift_right_arithmetic3A_366 = arith.shrsi %get3A_362, %shift_right_arithmetic3A_365 : vector<16xi32>
      %and3A_367 = arith.constant 127 : i32
      %and3A_368 = vector.broadcast %and3A_367 : i32 to vector<16xi32>
      %and3A_369 = arith.andi %get3A_362, %and3A_368 : vector<16xi32>
      tpu.vector_store_idx %arg14[%shift_right_arithmetic3A_366, %and3A_369], %gather3A_363 {add = true} : memref<80x128xf32, #tpu.memory_space<vmem>>[vector<16xi32>, vector<16xi32>], vector<16xf32>,
      %get3A_370 = arith.constant 2 : i32
      %get3A_371 = arith.index_cast %get3A_370 : i32 to index
      %get3A_372 = arith.constant 80 : index
      %get3A_373 = tpu.vector_load %arg10[%get3A_371, %get3A_372] {strides = array<i32>} : memref<8x128xi32, #tpu.memory_space<vmem>>, vector<16xi32>,
      %get3A_374 = arith.constant 2 : i32
      %get3A_375 = arith.index_cast %get3A_374 : i32 to index
      %get3A_376 = arith.constant 80 : index
      %get3A_377 = tpu.vector_load %arg11[%get3A_375, %get3A_376] {strides = array<i32>} : memref<8x128xi32, #tpu.memory_space<vmem>>, vector<16xi32>,
      %gather3A_378 = tpu.vector_load_idx %arg12[%get3A_373] : memref<10000xf32, #tpu.memory_space<vmem>>[vector<16xi32>], vector<16xf32>,
      %shift_right_arithmetic3A_379 = arith.constant 7 : i32
      %shift_right_arithmetic3A_380 = vector.broadcast %shift_right_arithmetic3A_379 : i32 to vector<16xi32>
      %shift_right_arithmetic3A_381 = arith.shrsi %get3A_377, %shift_right_arithmetic3A_380 : vector<16xi32>
      %and3A_382 = arith.constant 127 : i32
      %and3A_383 = vector.broadcast %and3A_382 : i32 to vector<16xi32>
      %and3A_384 = arith.andi %get3A_377, %and3A_383 : vector<16xi32>
      tpu.vector_store_idx %arg14[%shift_right_arithmetic3A_381, %and3A_384], %gather3A_378 {add = true} : memref<80x128xf32, #tpu.memory_space<vmem>>[vector<16xi32>, vector<16xi32>], vector<16xf32>,
      %get3A_385 = arith.constant 2 : i32
      %get3A_386 = arith.index_cast %get3A_385 : i32 to index
      %get3A_387 = arith.constant 96 : index
      %get3A_388 = tpu.vector_load %arg10[%get3A_386, %get3A_387] {strides = array<i32>} : memref<8x128xi32, #tpu.memory_space<vmem>>, vector<16xi32>,
      %get3A_389 = arith.constant 2 : i32
      %get3A_390 = arith.index_cast %get3A_389 : i32 to index
      %get3A_391 = arith.constant 96 : index
      %get3A_392 = tpu.vector_load %arg11[%get3A_390, %get3A_391] {strides = array<i32>} : memref<8x128xi32, #tpu.memory_space<vmem>>, vector<16xi32>,
      %gather3A_393 = tpu.vector_load_idx %arg12[%get3A_388] : memref<10000xf32, #tpu.memory_space<vmem>>[vector<16xi32>], vector<16xf32>,
      %shift_right_arithmetic3A_394 = arith.constant 7 : i32
      %shift_right_arithmetic3A_395 = vector.broadcast %shift_right_arithmetic3A_394 : i32 to vector<16xi32>
      %shift_right_arithmetic3A_396 = arith.shrsi %get3A_392, %shift_right_arithmetic3A_395 : vector<16xi32>
      %and3A_397 = arith.constant 127 : i32
      %and3A_398 = vector.broadcast %and3A_397 : i32 to vector<16xi32>
      %and3A_399 = arith.andi %get3A_392, %and3A_398 : vector<16xi32>
      tpu.vector_store_idx %arg14[%shift_right_arithmetic3A_396, %and3A_399], %gather3A_393 {add = true} : memref<80x128xf32, #tpu.memory_space<vmem>>[vector<16xi32>, vector<16xi32>], vector<16xf32>,
      %get3A_400 = arith.constant 2 : i32
      %get3A_401 = arith.index_cast %get3A_400 : i32 to index
      %get3A_402 = arith.constant 112 : index
      %get3A_403 = tpu.vector_load %arg10[%get3A_401, %get3A_402] {strides = array<i32>} : memref<8x128xi32, #tpu.memory_space<vmem>>, vector<16xi32>,
      %get3A_404 = arith.constant 2 : i32
      %get3A_405 = arith.index_cast %get3A_404 : i32 to index
      %get3A_406 = arith.constant 112 : index
      %get3A_407 = tpu.vector_load %arg11[%get3A_405, %get3A_406] {strides = array<i32>} : memref<8x128xi32, #tpu.memory_space<vmem>>, vector<16xi32>,
      %gather3A_408 = tpu.vector_load_idx %arg12[%get3A_403] : memref<10000xf32, #tpu.memory_space<vmem>>[vector<16xi32>], vector<16xf32>,
      %shift_right_arithmetic3A_409 = arith.constant 7 : i32
      %shift_right_arithmetic3A_410 = vector.broadcast %shift_right_arithmetic3A_409 : i32 to vector<16xi32>
      %shift_right_arithmetic3A_411 = arith.shrsi %get3A_407, %shift_right_arithmetic3A_410 : vector<16xi32>
      %and3A_412 = arith.constant 127 : i32
      %and3A_413 = vector.broadcast %and3A_412 : i32 to vector<16xi32>
      %and3A_414 = arith.andi %get3A_407, %and3A_413 : vector<16xi32>
      tpu.vector_store_idx %arg14[%shift_right_arithmetic3A_411, %and3A_414], %gather3A_408 {add = true} : memref<80x128xf32, #tpu.memory_space<vmem>>[vector<16xi32>, vector<16xi32>], vector<16xf32>,
      %dma_wait3A_415 = arith.constant 2 : i32
      %dma_wait3A_416 = arith.constant 0 : i32
      %dma_wait3A_417 = tpu.memref_slice %arg10[%dma_wait3A_415, %dma_wait3A_416] : memref<8x128xi32, #tpu.memory_space<vmem>> -> memref<1x128xi32, #tpu.memory_space<vmem>>
      %dma_wait3A_418 = tpu.memref_squeeze %dma_wait3A_417 : memref<1x128xi32, #tpu.memory_space<vmem>> -> memref<128xi32, #tpu.memory_space<vmem>>
      %dma_wait3A_419 = arith.constant 0 : i32
      %dma_wait3A_420 = arith.constant 0 : i32
      %dma_wait3A_421 = tpu.memref_slice %arg7[%dma_wait3A_419, %dma_wait3A_420] : memref<10000x128xf32, #tpu.memory_space<hbm>> -> memref<10000x128xf32, #tpu.memory_space<hbm>>
      tpu.wait_indirect_dma semaphore(%arg18 : memref<!tpu.dma_semaphore, #tpu.memory_space<semaphore_mem>>) src(%dma_wait3A_421 : memref<10000x128xf32, #tpu.memory_space<hbm>>) dst(%arg13 : memref<128x128xf32, #tpu.memory_space<vmem>>)
      %run_scoped3A_422 = arith.constant 2 : i32
      "tpu.region"() ({
        %run_scoped3A_1098 = tpu.sem_alloc : memref<!tpu.dma_semaphore, #tpu.memory_space<semaphore_mem>>
        %dma_start3A_1099 = arith.constant 0 : i32
        %dma_start3A_1100 = tpu.memref_slice %arg11[%run_scoped3A_422, %dma_start3A_1099] : memref<8x128xi32, #tpu.memory_space<vmem>> -> memref<1x128xi32, #tpu.memory_space<vmem>>
        %dma_start3A_1101 = tpu.memref_squeeze %dma_start3A_1100 : memref<1x128xi32, #tpu.memory_space<vmem>> -> memref<128xi32, #tpu.memory_space<vmem>>
        %dma_start3A_1102 = arith.constant 0 : i32
        %dma_start3A_1103 = arith.constant 0 : i32
        %dma_start3A_1104 = tpu.memref_slice %arg16[%dma_start3A_1102, %dma_start3A_1103] : memref<10240x128xf32, #tpu.memory_space<vmem_shared>> -> memref<10240x128xf32, #tpu.memory_space<vmem_shared>>
        tpu.enqueue_indirect_dma source(%arg13 : memref<128x128xf32, #tpu.memory_space<vmem>>) target(%dma_start3A_1104 : memref<10240x128xf32, #tpu.memory_space<vmem_shared>>) offsets(%dma_start3A_1101 : memref<128xi32, #tpu.memory_space<vmem>>) semaphore(%run_scoped3A_1098 : memref<!tpu.dma_semaphore, #tpu.memory_space<semaphore_mem>>) {add = true}
        %dma_wait3A_1105 = arith.constant 0 : i32
        %dma_wait3A_1106 = tpu.memref_slice %arg11[%run_scoped3A_422, %dma_wait3A_1105] : memref<8x128xi32, #tpu.memory_space<vmem>> -> memref<1x128xi32, #tpu.memory_space<vmem>>
        %dma_wait3A_1107 = tpu.memref_squeeze %dma_wait3A_1106 : memref<1x128xi32, #tpu.memory_space<vmem>> -> memref<128xi32, #tpu.memory_space<vmem>>
        %dma_wait3A_1108 = arith.constant 0 : i32
        %dma_wait3A_1109 = arith.constant 0 : i32
        %dma_wait3A_1110 = tpu.memref_slice %arg16[%dma_wait3A_1108, %dma_wait3A_1109] : memref<10240x128xf32, #tpu.memory_space<vmem_shared>> -> memref<10240x128xf32, #tpu.memory_space<vmem_shared>>
        tpu.wait_indirect_dma semaphore(%run_scoped3A_1098 : memref<!tpu.dma_semaphore, #tpu.memory_space<semaphore_mem>>) src(%arg13 : memref<128x128xf32, #tpu.memory_space<vmem>>) dst(%dma_wait3A_1110 : memref<10240x128xf32, #tpu.memory_space<vmem_shared>>)
        tpu.yield
      }) : () -> ()
      %dma_start3A_423 = arith.constant 3 : i32
      %dma_start3A_424 = arith.constant 0 : i32
      %dma_start3A_425 = tpu.memref_slice %arg10[%dma_start3A_423, %dma_start3A_424] : memref<8x128xi32, #tpu.memory_space<vmem>> -> memref<1x128xi32, #tpu.memory_space<vmem>>
      %dma_start3A_426 = tpu.memref_squeeze %dma_start3A_425 : memref<1x128xi32, #tpu.memory_space<vmem>> -> memref<128xi32, #tpu.memory_space<vmem>>
      %dma_start3A_427 = arith.constant 0 : i32
      %dma_start3A_428 = arith.constant 0 : i32
      %dma_start3A_429 = tpu.memref_slice %arg7[%dma_start3A_427, %dma_start3A_428] : memref<10000x128xf32, #tpu.memory_space<hbm>> -> memref<10000x128xf32, #tpu.memory_space<hbm>>
      tpu.enqueue_indirect_dma source(%dma_start3A_429 : memref<10000x128xf32, #tpu.memory_space<hbm>>) target(%arg13 : memref<128x128xf32, #tpu.memory_space<vmem>>) offsets(%dma_start3A_426 : memref<128xi32, #tpu.memory_space<vmem>>) semaphore(%arg18 : memref<!tpu.dma_semaphore, #tpu.memory_space<semaphore_mem>>)
      %get3A_430 = arith.constant 3 : i32
      %get3A_431 = arith.index_cast %get3A_430 : i32 to index
      %get3A_432 = arith.constant 0 : index
      %get3A_433 = tpu.vector_load %arg10[%get3A_431, %get3A_432] {strides = array<i32>} : memref<8x128xi32, #tpu.memory_space<vmem>>, vector<16xi32>,
      %get3A_434 = arith.constant 3 : i32
      %get3A_435 = arith.index_cast %get3A_434 : i32 to index
      %get3A_436 = arith.constant 0 : index
      %get3A_437 = tpu.vector_load %arg11[%get3A_435, %get3A_436] {strides = array<i32>} : memref<8x128xi32, #tpu.memory_space<vmem>>, vector<16xi32>,
      %gather3A_438 = tpu.vector_load_idx %arg12[%get3A_433] : memref<10000xf32, #tpu.memory_space<vmem>>[vector<16xi32>], vector<16xf32>,
      %shift_right_arithmetic3A_439 = arith.constant 7 : i32
      %shift_right_arithmetic3A_440 = vector.broadcast %shift_right_arithmetic3A_439 : i32 to vector<16xi32>
      %shift_right_arithmetic3A_441 = arith.shrsi %get3A_437, %shift_right_arithmetic3A_440 : vector<16xi32>
      %and3A_442 = arith.constant 127 : i32
      %and3A_443 = vector.broadcast %and3A_442 : i32 to vector<16xi32>
      %and3A_444 = arith.andi %get3A_437, %and3A_443 : vector<16xi32>
      tpu.vector_store_idx %arg14[%shift_right_arithmetic3A_441, %and3A_444], %gather3A_438 {add = true} : memref<80x128xf32, #tpu.memory_space<vmem>>[vector<16xi32>, vector<16xi32>], vector<16xf32>,
      %get3A_445 = arith.constant 3 : i32
      %get3A_446 = arith.index_cast %get3A_445 : i32 to index
      %get3A_447 = arith.constant 16 : index
      %get3A_448 = tpu.vector_load %arg10[%get3A_446, %get3A_447] {strides = array<i32>} : memref<8x128xi32, #tpu.memory_space<vmem>>, vector<16xi32>,
      %get3A_449 = arith.constant 3 : i32
      %get3A_450 = arith.index_cast %get3A_449 : i32 to index
      %get3A_451 = arith.constant 16 : index
      %get3A_452 = tpu.vector_load %arg11[%get3A_450, %get3A_451] {strides = array<i32>} : memref<8x128xi32, #tpu.memory_space<vmem>>, vector<16xi32>,
      %gather3A_453 = tpu.vector_load_idx %arg12[%get3A_448] : memref<10000xf32, #tpu.memory_space<vmem>>[vector<16xi32>], vector<16xf32>,
      %shift_right_arithmetic3A_454 = arith.constant 7 : i32
      %shift_right_arithmetic3A_455 = vector.broadcast %shift_right_arithmetic3A_454 : i32 to vector<16xi32>
      %shift_right_arithmetic3A_456 = arith.shrsi %get3A_452, %shift_right_arithmetic3A_455 : vector<16xi32>
      %and3A_457 = arith.constant 127 : i32
      %and3A_458 = vector.broadcast %and3A_457 : i32 to vector<16xi32>
      %and3A_459 = arith.andi %get3A_452, %and3A_458 : vector<16xi32>
      tpu.vector_store_idx %arg14[%shift_right_arithmetic3A_456, %and3A_459], %gather3A_453 {add = true} : memref<80x128xf32, #tpu.memory_space<vmem>>[vector<16xi32>, vector<16xi32>], vector<16xf32>,
      %get3A_460 = arith.constant 3 : i32
      %get3A_461 = arith.index_cast %get3A_460 : i32 to index
      %get3A_462 = arith.constant 32 : index
      %get3A_463 = tpu.vector_load %arg10[%get3A_461, %get3A_462] {strides = array<i32>} : memref<8x128xi32, #tpu.memory_space<vmem>>, vector<16xi32>,
      %get3A_464 = arith.constant 3 : i32
      %get3A_465 = arith.index_cast %get3A_464 : i32 to index
      %get3A_466 = arith.constant 32 : index
      %get3A_467 = tpu.vector_load %arg11[%get3A_465, %get3A_466] {strides = array<i32>} : memref<8x128xi32, #tpu.memory_space<vmem>>, vector<16xi32>,
      %gather3A_468 = tpu.vector_load_idx %arg12[%get3A_463] : memref<10000xf32, #tpu.memory_space<vmem>>[vector<16xi32>], vector<16xf32>,
      %shift_right_arithmetic3A_469 = arith.constant 7 : i32
      %shift_right_arithmetic3A_470 = vector.broadcast %shift_right_arithmetic3A_469 : i32 to vector<16xi32>
      %shift_right_arithmetic3A_471 = arith.shrsi %get3A_467, %shift_right_arithmetic3A_470 : vector<16xi32>
      %and3A_472 = arith.constant 127 : i32
      %and3A_473 = vector.broadcast %and3A_472 : i32 to vector<16xi32>
      %and3A_474 = arith.andi %get3A_467, %and3A_473 : vector<16xi32>
      tpu.vector_store_idx %arg14[%shift_right_arithmetic3A_471, %and3A_474], %gather3A_468 {add = true} : memref<80x128xf32, #tpu.memory_space<vmem>>[vector<16xi32>, vector<16xi32>], vector<16xf32>,
      %get3A_475 = arith.constant 3 : i32
      %get3A_476 = arith.index_cast %get3A_475 : i32 to index
      %get3A_477 = arith.constant 48 : index
      %get3A_478 = tpu.vector_load %arg10[%get3A_476, %get3A_477] {strides = array<i32>} : memref<8x128xi32, #tpu.memory_space<vmem>>, vector<16xi32>,
      %get3A_479 = arith.constant 3 : i32
      %get3A_480 = arith.index_cast %get3A_479 : i32 to index
      %get3A_481 = arith.constant 48 : index
      %get3A_482 = tpu.vector_load %arg11[%get3A_480, %get3A_481] {strides = array<i32>} : memref<8x128xi32, #tpu.memory_space<vmem>>, vector<16xi32>,
      %gather3A_483 = tpu.vector_load_idx %arg12[%get3A_478] : memref<10000xf32, #tpu.memory_space<vmem>>[vector<16xi32>], vector<16xf32>,
      %shift_right_arithmetic3A_484 = arith.constant 7 : i32
      %shift_right_arithmetic3A_485 = vector.broadcast %shift_right_arithmetic3A_484 : i32 to vector<16xi32>
      %shift_right_arithmetic3A_486 = arith.shrsi %get3A_482, %shift_right_arithmetic3A_485 : vector<16xi32>
      %and3A_487 = arith.constant 127 : i32
      %and3A_488 = vector.broadcast %and3A_487 : i32 to vector<16xi32>
      %and3A_489 = arith.andi %get3A_482, %and3A_488 : vector<16xi32>
      tpu.vector_store_idx %arg14[%shift_right_arithmetic3A_486, %and3A_489], %gather3A_483 {add = true} : memref<80x128xf32, #tpu.memory_space<vmem>>[vector<16xi32>, vector<16xi32>], vector<16xf32>,
      %get3A_490 = arith.constant 3 : i32
      %get3A_491 = arith.index_cast %get3A_490 : i32 to index
      %get3A_492 = arith.constant 64 : index
      %get3A_493 = tpu.vector_load %arg10[%get3A_491, %get3A_492] {strides = array<i32>} : memref<8x128xi32, #tpu.memory_space<vmem>>, vector<16xi32>,
      %get3A_494 = arith.constant 3 : i32
      %get3A_495 = arith.index_cast %get3A_494 : i32 to index
      %get3A_496 = arith.constant 64 : index
      %get3A_497 = tpu.vector_load %arg11[%get3A_495, %get3A_496] {strides = array<i32>} : memref<8x128xi32, #tpu.memory_space<vmem>>, vector<16xi32>,
      %gather3A_498 = tpu.vector_load_idx %arg12[%get3A_493] : memref<10000xf32, #tpu.memory_space<vmem>>[vector<16xi32>], vector<16xf32>,
      %shift_right_arithmetic3A_499 = arith.constant 7 : i32
      %shift_right_arithmetic3A_500 = vector.broadcast %shift_right_arithmetic3A_499 : i32 to vector<16xi32>
      %shift_right_arithmetic3A_501 = arith.shrsi %get3A_497, %shift_right_arithmetic3A_500 : vector<16xi32>
      %and3A_502 = arith.constant 127 : i32
      %and3A_503 = vector.broadcast %and3A_502 : i32 to vector<16xi32>
      %and3A_504 = arith.andi %get3A_497, %and3A_503 : vector<16xi32>
      tpu.vector_store_idx %arg14[%shift_right_arithmetic3A_501, %and3A_504], %gather3A_498 {add = true} : memref<80x128xf32, #tpu.memory_space<vmem>>[vector<16xi32>, vector<16xi32>], vector<16xf32>,
      %get3A_505 = arith.constant 3 : i32
      %get3A_506 = arith.index_cast %get3A_505 : i32 to index
      %get3A_507 = arith.constant 80 : index
      %get3A_508 = tpu.vector_load %arg10[%get3A_506, %get3A_507] {strides = array<i32>} : memref<8x128xi32, #tpu.memory_space<vmem>>, vector<16xi32>,
      %get3A_509 = arith.constant 3 : i32
      %get3A_510 = arith.index_cast %get3A_509 : i32 to index
      %get3A_511 = arith.constant 80 : index
      %get3A_512 = tpu.vector_load %arg11[%get3A_510, %get3A_511] {strides = array<i32>} : memref<8x128xi32, #tpu.memory_space<vmem>>, vector<16xi32>,
      %gather3A_513 = tpu.vector_load_idx %arg12[%get3A_508] : memref<10000xf32, #tpu.memory_space<vmem>>[vector<16xi32>], vector<16xf32>,
      %shift_right_arithmetic3A_514 = arith.constant 7 : i32
      %shift_right_arithmetic3A_515 = vector.broadcast %shift_right_arithmetic3A_514 : i32 to vector<16xi32>
      %shift_right_arithmetic3A_516 = arith.shrsi %get3A_512, %shift_right_arithmetic3A_515 : vector<16xi32>
      %and3A_517 = arith.constant 127 : i32
      %and3A_518 = vector.broadcast %and3A_517 : i32 to vector<16xi32>
      %and3A_519 = arith.andi %get3A_512, %and3A_518 : vector<16xi32>
      tpu.vector_store_idx %arg14[%shift_right_arithmetic3A_516, %and3A_519], %gather3A_513 {add = true} : memref<80x128xf32, #tpu.memory_space<vmem>>[vector<16xi32>, vector<16xi32>], vector<16xf32>,
      %get3A_520 = arith.constant 3 : i32
      %get3A_521 = arith.index_cast %get3A_520 : i32 to index
      %get3A_522 = arith.constant 96 : index
      %get3A_523 = tpu.vector_load %arg10[%get3A_521, %get3A_522] {strides = array<i32>} : memref<8x128xi32, #tpu.memory_space<vmem>>, vector<16xi32>,
      %get3A_524 = arith.constant 3 : i32
      %get3A_525 = arith.index_cast %get3A_524 : i32 to index
      %get3A_526 = arith.constant 96 : index
      %get3A_527 = tpu.vector_load %arg11[%get3A_525, %get3A_526] {strides = array<i32>} : memref<8x128xi32, #tpu.memory_space<vmem>>, vector<16xi32>,
      %gather3A_528 = tpu.vector_load_idx %arg12[%get3A_523] : memref<10000xf32, #tpu.memory_space<vmem>>[vector<16xi32>], vector<16xf32>,
      %shift_right_arithmetic3A_529 = arith.constant 7 : i32
      %shift_right_arithmetic3A_530 = vector.broadcast %shift_right_arithmetic3A_529 : i32 to vector<16xi32>
      %shift_right_arithmetic3A_531 = arith.shrsi %get3A_527, %shift_right_arithmetic3A_530 : vector<16xi32>
      %and3A_532 = arith.constant 127 : i32
      %and3A_533 = vector.broadcast %and3A_532 : i32 to vector<16xi32>
      %and3A_534 = arith.andi %get3A_527, %and3A_533 : vector<16xi32>
      tpu.vector_store_idx %arg14[%shift_right_arithmetic3A_531, %and3A_534], %gather3A_528 {add = true} : memref<80x128xf32, #tpu.memory_space<vmem>>[vector<16xi32>, vector<16xi32>], vector<16xf32>,
      %get3A_535 = arith.constant 3 : i32
      %get3A_536 = arith.index_cast %get3A_535 : i32 to index
      %get3A_537 = arith.constant 112 : index
      %get3A_538 = tpu.vector_load %arg10[%get3A_536, %get3A_537] {strides = array<i32>} : memref<8x128xi32, #tpu.memory_space<vmem>>, vector<16xi32>,
      %get3A_539 = arith.constant 3 : i32
      %get3A_540 = arith.index_cast %get3A_539 : i32 to index
      %get3A_541 = arith.constant 112 : index
      %get3A_542 = tpu.vector_load %arg11[%get3A_540, %get3A_541] {strides = array<i32>} : memref<8x128xi32, #tpu.memory_space<vmem>>, vector<16xi32>,
      %gather3A_543 = tpu.vector_load_idx %arg12[%get3A_538] : memref<10000xf32, #tpu.memory_space<vmem>>[vector<16xi32>], vector<16xf32>,
      %shift_right_arithmetic3A_544 = arith.constant 7 : i32
      %shift_right_arithmetic3A_545 = vector.broadcast %shift_right_arithmetic3A_544 : i32 to vector<16xi32>
      %shift_right_arithmetic3A_546 = arith.shrsi %get3A_542, %shift_right_arithmetic3A_545 : vector<16xi32>
      %and3A_547 = arith.constant 127 : i32
      %and3A_548 = vector.broadcast %and3A_547 : i32 to vector<16xi32>
      %and3A_549 = arith.andi %get3A_542, %and3A_548 : vector<16xi32>
      tpu.vector_store_idx %arg14[%shift_right_arithmetic3A_546, %and3A_549], %gather3A_543 {add = true} : memref<80x128xf32, #tpu.memory_space<vmem>>[vector<16xi32>, vector<16xi32>], vector<16xf32>,
      %dma_wait3A_550 = arith.constant 3 : i32
      %dma_wait3A_551 = arith.constant 0 : i32
      %dma_wait3A_552 = tpu.memref_slice %arg10[%dma_wait3A_550, %dma_wait3A_551] : memref<8x128xi32, #tpu.memory_space<vmem>> -> memref<1x128xi32, #tpu.memory_space<vmem>>
      %dma_wait3A_553 = tpu.memref_squeeze %dma_wait3A_552 : memref<1x128xi32, #tpu.memory_space<vmem>> -> memref<128xi32, #tpu.memory_space<vmem>>
      %dma_wait3A_554 = arith.constant 0 : i32
      %dma_wait3A_555 = arith.constant 0 : i32
      %dma_wait3A_556 = tpu.memref_slice %arg7[%dma_wait3A_554, %dma_wait3A_555] : memref<10000x128xf32, #tpu.memory_space<hbm>> -> memref<10000x128xf32, #tpu.memory_space<hbm>>
      tpu.wait_indirect_dma semaphore(%arg18 : memref<!tpu.dma_semaphore, #tpu.memory_space<semaphore_mem>>) src(%dma_wait3A_556 : memref<10000x128xf32, #tpu.memory_space<hbm>>) dst(%arg13 : memref<128x128xf32, #tpu.memory_space<vmem>>)
      %run_scoped3A_557 = arith.constant 3 : i32
      "tpu.region"() ({
        %run_scoped3A_1098 = tpu.sem_alloc : memref<!tpu.dma_semaphore, #tpu.memory_space<semaphore_mem>>
        %dma_start3A_1099 = arith.constant 0 : i32
        %dma_start3A_1100 = tpu.memref_slice %arg11[%run_scoped3A_557, %dma_start3A_1099] : memref<8x128xi32, #tpu.memory_space<vmem>> -> memref<1x128xi32, #tpu.memory_space<vmem>>
        %dma_start3A_1101 = tpu.memref_squeeze %dma_start3A_1100 : memref<1x128xi32, #tpu.memory_space<vmem>> -> memref<128xi32, #tpu.memory_space<vmem>>
        %dma_start3A_1102 = arith.constant 0 : i32
        %dma_start3A_1103 = arith.constant 0 : i32
        %dma_start3A_1104 = tpu.memref_slice %arg16[%dma_start3A_1102, %dma_start3A_1103] : memref<10240x128xf32, #tpu.memory_space<vmem_shared>> -> memref<10240x128xf32, #tpu.memory_space<vmem_shared>>
        tpu.enqueue_indirect_dma source(%arg13 : memref<128x128xf32, #tpu.memory_space<vmem>>) target(%dma_start3A_1104 : memref<10240x128xf32, #tpu.memory_space<vmem_shared>>) offsets(%dma_start3A_1101 : memref<128xi32, #tpu.memory_space<vmem>>) semaphore(%run_scoped3A_1098 : memref<!tpu.dma_semaphore, #tpu.memory_space<semaphore_mem>>) {add = true}
        %dma_wait3A_1105 = arith.constant 0 : i32
        %dma_wait3A_1106 = tpu.memref_slice %arg11[%run_scoped3A_557, %dma_wait3A_1105] : memref<8x128xi32, #tpu.memory_space<vmem>> -> memref<1x128xi32, #tpu.memory_space<vmem>>
        %dma_wait3A_1107 = tpu.memref_squeeze %dma_wait3A_1106 : memref<1x128xi32, #tpu.memory_space<vmem>> -> memref<128xi32, #tpu.memory_space<vmem>>
        %dma_wait3A_1108 = arith.constant 0 : i32
        %dma_wait3A_1109 = arith.constant 0 : i32
        %dma_wait3A_1110 = tpu.memref_slice %arg16[%dma_wait3A_1108, %dma_wait3A_1109] : memref<10240x128xf32, #tpu.memory_space<vmem_shared>> -> memref<10240x128xf32, #tpu.memory_space<vmem_shared>>
        tpu.wait_indirect_dma semaphore(%run_scoped3A_1098 : memref<!tpu.dma_semaphore, #tpu.memory_space<semaphore_mem>>) src(%arg13 : memref<128x128xf32, #tpu.memory_space<vmem>>) dst(%dma_wait3A_1110 : memref<10240x128xf32, #tpu.memory_space<vmem_shared>>)
        tpu.yield
      }) : () -> ()
      %dma_start3A_558 = arith.constant 4 : i32
      %dma_start3A_559 = arith.constant 0 : i32
      %dma_start3A_560 = tpu.memref_slice %arg10[%dma_start3A_558, %dma_start3A_559] : memref<8x128xi32, #tpu.memory_space<vmem>> -> memref<1x128xi32, #tpu.memory_space<vmem>>
      %dma_start3A_561 = tpu.memref_squeeze %dma_start3A_560 : memref<1x128xi32, #tpu.memory_space<vmem>> -> memref<128xi32, #tpu.memory_space<vmem>>
      %dma_start3A_562 = arith.constant 0 : i32
      %dma_start3A_563 = arith.constant 0 : i32
      %dma_start3A_564 = tpu.memref_slice %arg7[%dma_start3A_562, %dma_start3A_563] : memref<10000x128xf32, #tpu.memory_space<hbm>> -> memref<10000x128xf32, #tpu.memory_space<hbm>>
      tpu.enqueue_indirect_dma source(%dma_start3A_564 : memref<10000x128xf32, #tpu.memory_space<hbm>>) target(%arg13 : memref<128x128xf32, #tpu.memory_space<vmem>>) offsets(%dma_start3A_561 : memref<128xi32, #tpu.memory_space<vmem>>) semaphore(%arg18 : memref<!tpu.dma_semaphore, #tpu.memory_space<semaphore_mem>>)
      %get3A_565 = arith.constant 4 : i32
      %get3A_566 = arith.index_cast %get3A_565 : i32 to index
      %get3A_567 = arith.constant 0 : index
      %get3A_568 = tpu.vector_load %arg10[%get3A_566, %get3A_567] {strides = array<i32>} : memref<8x128xi32, #tpu.memory_space<vmem>>, vector<16xi32>,
      %get3A_569 = arith.constant 4 : i32
      %get3A_570 = arith.index_cast %get3A_569 : i32 to index
      %get3A_571 = arith.constant 0 : index
      %get3A_572 = tpu.vector_load %arg11[%get3A_570, %get3A_571] {strides = array<i32>} : memref<8x128xi32, #tpu.memory_space<vmem>>, vector<16xi32>,
      %gather3A_573 = tpu.vector_load_idx %arg12[%get3A_568] : memref<10000xf32, #tpu.memory_space<vmem>>[vector<16xi32>], vector<16xf32>,
      %shift_right_arithmetic3A_574 = arith.constant 7 : i32
      %shift_right_arithmetic3A_575 = vector.broadcast %shift_right_arithmetic3A_574 : i32 to vector<16xi32>
      %shift_right_arithmetic3A_576 = arith.shrsi %get3A_572, %shift_right_arithmetic3A_575 : vector<16xi32>
      %and3A_577 = arith.constant 127 : i32
      %and3A_578 = vector.broadcast %and3A_577 : i32 to vector<16xi32>
      %and3A_579 = arith.andi %get3A_572, %and3A_578 : vector<16xi32>
      tpu.vector_store_idx %arg14[%shift_right_arithmetic3A_576, %and3A_579], %gather3A_573 {add = true} : memref<80x128xf32, #tpu.memory_space<vmem>>[vector<16xi32>, vector<16xi32>], vector<16xf32>,
      %get3A_580 = arith.constant 4 : i32
      %get3A_581 = arith.index_cast %get3A_580 : i32 to index
      %get3A_582 = arith.constant 16 : index
      %get3A_583 = tpu.vector_load %arg10[%get3A_581, %get3A_582] {strides = array<i32>} : memref<8x128xi32, #tpu.memory_space<vmem>>, vector<16xi32>,
      %get3A_584 = arith.constant 4 : i32
      %get3A_585 = arith.index_cast %get3A_584 : i32 to index
      %get3A_586 = arith.constant 16 : index
      %get3A_587 = tpu.vector_load %arg11[%get3A_585, %get3A_586] {strides = array<i32>} : memref<8x128xi32, #tpu.memory_space<vmem>>, vector<16xi32>,
      %gather3A_588 = tpu.vector_load_idx %arg12[%get3A_583] : memref<10000xf32, #tpu.memory_space<vmem>>[vector<16xi32>], vector<16xf32>,
      %shift_right_arithmetic3A_589 = arith.constant 7 : i32
      %shift_right_arithmetic3A_590 = vector.broadcast %shift_right_arithmetic3A_589 : i32 to vector<16xi32>
      %shift_right_arithmetic3A_591 = arith.shrsi %get3A_587, %shift_right_arithmetic3A_590 : vector<16xi32>
      %and3A_592 = arith.constant 127 : i32
      %and3A_593 = vector.broadcast %and3A_592 : i32 to vector<16xi32>
      %and3A_594 = arith.andi %get3A_587, %and3A_593 : vector<16xi32>
      tpu.vector_store_idx %arg14[%shift_right_arithmetic3A_591, %and3A_594], %gather3A_588 {add = true} : memref<80x128xf32, #tpu.memory_space<vmem>>[vector<16xi32>, vector<16xi32>], vector<16xf32>,
      %get3A_595 = arith.constant 4 : i32
      %get3A_596 = arith.index_cast %get3A_595 : i32 to index
      %get3A_597 = arith.constant 32 : index
      %get3A_598 = tpu.vector_load %arg10[%get3A_596, %get3A_597] {strides = array<i32>} : memref<8x128xi32, #tpu.memory_space<vmem>>, vector<16xi32>,
      %get3A_599 = arith.constant 4 : i32
      %get3A_600 = arith.index_cast %get3A_599 : i32 to index
      %get3A_601 = arith.constant 32 : index
      %get3A_602 = tpu.vector_load %arg11[%get3A_600, %get3A_601] {strides = array<i32>} : memref<8x128xi32, #tpu.memory_space<vmem>>, vector<16xi32>,
      %gather3A_603 = tpu.vector_load_idx %arg12[%get3A_598] : memref<10000xf32, #tpu.memory_space<vmem>>[vector<16xi32>], vector<16xf32>,
      %shift_right_arithmetic3A_604 = arith.constant 7 : i32
      %shift_right_arithmetic3A_605 = vector.broadcast %shift_right_arithmetic3A_604 : i32 to vector<16xi32>
      %shift_right_arithmetic3A_606 = arith.shrsi %get3A_602, %shift_right_arithmetic3A_605 : vector<16xi32>
      %and3A_607 = arith.constant 127 : i32
      %and3A_608 = vector.broadcast %and3A_607 : i32 to vector<16xi32>
      %and3A_609 = arith.andi %get3A_602, %and3A_608 : vector<16xi32>
      tpu.vector_store_idx %arg14[%shift_right_arithmetic3A_606, %and3A_609], %gather3A_603 {add = true} : memref<80x128xf32, #tpu.memory_space<vmem>>[vector<16xi32>, vector<16xi32>], vector<16xf32>,
      %get3A_610 = arith.constant 4 : i32
      %get3A_611 = arith.index_cast %get3A_610 : i32 to index
      %get3A_612 = arith.constant 48 : index
      %get3A_613 = tpu.vector_load %arg10[%get3A_611, %get3A_612] {strides = array<i32>} : memref<8x128xi32, #tpu.memory_space<vmem>>, vector<16xi32>,
      %get3A_614 = arith.constant 4 : i32
      %get3A_615 = arith.index_cast %get3A_614 : i32 to index
      %get3A_616 = arith.constant 48 : index
      %get3A_617 = tpu.vector_load %arg11[%get3A_615, %get3A_616] {strides = array<i32>} : memref<8x128xi32, #tpu.memory_space<vmem>>, vector<16xi32>,
      %gather3A_618 = tpu.vector_load_idx %arg12[%get3A_613] : memref<10000xf32, #tpu.memory_space<vmem>>[vector<16xi32>], vector<16xf32>,
      %shift_right_arithmetic3A_619 = arith.constant 7 : i32
      %shift_right_arithmetic3A_620 = vector.broadcast %shift_right_arithmetic3A_619 : i32 to vector<16xi32>
      %shift_right_arithmetic3A_621 = arith.shrsi %get3A_617, %shift_right_arithmetic3A_620 : vector<16xi32>
      %and3A_622 = arith.constant 127 : i32
      %and3A_623 = vector.broadcast %and3A_622 : i32 to vector<16xi32>
      %and3A_624 = arith.andi %get3A_617, %and3A_623 : vector<16xi32>
      tpu.vector_store_idx %arg14[%shift_right_arithmetic3A_621, %and3A_624], %gather3A_618 {add = true} : memref<80x128xf32, #tpu.memory_space<vmem>>[vector<16xi32>, vector<16xi32>], vector<16xf32>,
      %get3A_625 = arith.constant 4 : i32
      %get3A_626 = arith.index_cast %get3A_625 : i32 to index
      %get3A_627 = arith.constant 64 : index
      %get3A_628 = tpu.vector_load %arg10[%get3A_626, %get3A_627] {strides = array<i32>} : memref<8x128xi32, #tpu.memory_space<vmem>>, vector<16xi32>,
      %get3A_629 = arith.constant 4 : i32
      %get3A_630 = arith.index_cast %get3A_629 : i32 to index
      %get3A_631 = arith.constant 64 : index
      %get3A_632 = tpu.vector_load %arg11[%get3A_630, %get3A_631] {strides = array<i32>} : memref<8x128xi32, #tpu.memory_space<vmem>>, vector<16xi32>,
      %gather3A_633 = tpu.vector_load_idx %arg12[%get3A_628] : memref<10000xf32, #tpu.memory_space<vmem>>[vector<16xi32>], vector<16xf32>,
      %shift_right_arithmetic3A_634 = arith.constant 7 : i32
      %shift_right_arithmetic3A_635 = vector.broadcast %shift_right_arithmetic3A_634 : i32 to vector<16xi32>
      %shift_right_arithmetic3A_636 = arith.shrsi %get3A_632, %shift_right_arithmetic3A_635 : vector<16xi32>
      %and3A_637 = arith.constant 127 : i32
      %and3A_638 = vector.broadcast %and3A_637 : i32 to vector<16xi32>
      %and3A_639 = arith.andi %get3A_632, %and3A_638 : vector<16xi32>
      tpu.vector_store_idx %arg14[%shift_right_arithmetic3A_636, %and3A_639], %gather3A_633 {add = true} : memref<80x128xf32, #tpu.memory_space<vmem>>[vector<16xi32>, vector<16xi32>], vector<16xf32>,
      %get3A_640 = arith.constant 4 : i32
      %get3A_641 = arith.index_cast %get3A_640 : i32 to index
      %get3A_642 = arith.constant 80 : index
      %get3A_643 = tpu.vector_load %arg10[%get3A_641, %get3A_642] {strides = array<i32>} : memref<8x128xi32, #tpu.memory_space<vmem>>, vector<16xi32>,
      %get3A_644 = arith.constant 4 : i32
      %get3A_645 = arith.index_cast %get3A_644 : i32 to index
      %get3A_646 = arith.constant 80 : index
      %get3A_647 = tpu.vector_load %arg11[%get3A_645, %get3A_646] {strides = array<i32>} : memref<8x128xi32, #tpu.memory_space<vmem>>, vector<16xi32>,
      %gather3A_648 = tpu.vector_load_idx %arg12[%get3A_643] : memref<10000xf32, #tpu.memory_space<vmem>>[vector<16xi32>], vector<16xf32>,
      %shift_right_arithmetic3A_649 = arith.constant 7 : i32
      %shift_right_arithmetic3A_650 = vector.broadcast %shift_right_arithmetic3A_649 : i32 to vector<16xi32>
      %shift_right_arithmetic3A_651 = arith.shrsi %get3A_647, %shift_right_arithmetic3A_650 : vector<16xi32>
      %and3A_652 = arith.constant 127 : i32
      %and3A_653 = vector.broadcast %and3A_652 : i32 to vector<16xi32>
      %and3A_654 = arith.andi %get3A_647, %and3A_653 : vector<16xi32>
      tpu.vector_store_idx %arg14[%shift_right_arithmetic3A_651, %and3A_654], %gather3A_648 {add = true} : memref<80x128xf32, #tpu.memory_space<vmem>>[vector<16xi32>, vector<16xi32>], vector<16xf32>,
      %get3A_655 = arith.constant 4 : i32
      %get3A_656 = arith.index_cast %get3A_655 : i32 to index
      %get3A_657 = arith.constant 96 : index
      %get3A_658 = tpu.vector_load %arg10[%get3A_656, %get3A_657] {strides = array<i32>} : memref<8x128xi32, #tpu.memory_space<vmem>>, vector<16xi32>,
      %get3A_659 = arith.constant 4 : i32
      %get3A_660 = arith.index_cast %get3A_659 : i32 to index
      %get3A_661 = arith.constant 96 : index
      %get3A_662 = tpu.vector_load %arg11[%get3A_660, %get3A_661] {strides = array<i32>} : memref<8x128xi32, #tpu.memory_space<vmem>>, vector<16xi32>,
      %gather3A_663 = tpu.vector_load_idx %arg12[%get3A_658] : memref<10000xf32, #tpu.memory_space<vmem>>[vector<16xi32>], vector<16xf32>,
      %shift_right_arithmetic3A_664 = arith.constant 7 : i32
      %shift_right_arithmetic3A_665 = vector.broadcast %shift_right_arithmetic3A_664 : i32 to vector<16xi32>
      %shift_right_arithmetic3A_666 = arith.shrsi %get3A_662, %shift_right_arithmetic3A_665 : vector<16xi32>
      %and3A_667 = arith.constant 127 : i32
      %and3A_668 = vector.broadcast %and3A_667 : i32 to vector<16xi32>
      %and3A_669 = arith.andi %get3A_662, %and3A_668 : vector<16xi32>
      tpu.vector_store_idx %arg14[%shift_right_arithmetic3A_666, %and3A_669], %gather3A_663 {add = true} : memref<80x128xf32, #tpu.memory_space<vmem>>[vector<16xi32>, vector<16xi32>], vector<16xf32>,
      %get3A_670 = arith.constant 4 : i32
      %get3A_671 = arith.index_cast %get3A_670 : i32 to index
      %get3A_672 = arith.constant 112 : index
      %get3A_673 = tpu.vector_load %arg10[%get3A_671, %get3A_672] {strides = array<i32>} : memref<8x128xi32, #tpu.memory_space<vmem>>, vector<16xi32>,
      %get3A_674 = arith.constant 4 : i32
      %get3A_675 = arith.index_cast %get3A_674 : i32 to index
      %get3A_676 = arith.constant 112 : index
      %get3A_677 = tpu.vector_load %arg11[%get3A_675, %get3A_676] {strides = array<i32>} : memref<8x128xi32, #tpu.memory_space<vmem>>, vector<16xi32>,
      %gather3A_678 = tpu.vector_load_idx %arg12[%get3A_673] : memref<10000xf32, #tpu.memory_space<vmem>>[vector<16xi32>], vector<16xf32>,
      %shift_right_arithmetic3A_679 = arith.constant 7 : i32
      %shift_right_arithmetic3A_680 = vector.broadcast %shift_right_arithmetic3A_679 : i32 to vector<16xi32>
      %shift_right_arithmetic3A_681 = arith.shrsi %get3A_677, %shift_right_arithmetic3A_680 : vector<16xi32>
      %and3A_682 = arith.constant 127 : i32
      %and3A_683 = vector.broadcast %and3A_682 : i32 to vector<16xi32>
      %and3A_684 = arith.andi %get3A_677, %and3A_683 : vector<16xi32>
      tpu.vector_store_idx %arg14[%shift_right_arithmetic3A_681, %and3A_684], %gather3A_678 {add = true} : memref<80x128xf32, #tpu.memory_space<vmem>>[vector<16xi32>, vector<16xi32>], vector<16xf32>,
      %dma_wait3A_685 = arith.constant 4 : i32
      %dma_wait3A_686 = arith.constant 0 : i32
      %dma_wait3A_687 = tpu.memref_slice %arg10[%dma_wait3A_685, %dma_wait3A_686] : memref<8x128xi32, #tpu.memory_space<vmem>> -> memref<1x128xi32, #tpu.memory_space<vmem>>
      %dma_wait3A_688 = tpu.memref_squeeze %dma_wait3A_687 : memref<1x128xi32, #tpu.memory_space<vmem>> -> memref<128xi32, #tpu.memory_space<vmem>>
      %dma_wait3A_689 = arith.constant 0 : i32
      %dma_wait3A_690 = arith.constant 0 : i32
      %dma_wait3A_691 = tpu.memref_slice %arg7[%dma_wait3A_689, %dma_wait3A_690] : memref<10000x128xf32, #tpu.memory_space<hbm>> -> memref<10000x128xf32, #tpu.memory_space<hbm>>
      tpu.wait_indirect_dma semaphore(%arg18 : memref<!tpu.dma_semaphore, #tpu.memory_space<semaphore_mem>>) src(%dma_wait3A_691 : memref<10000x128xf32, #tpu.memory_space<hbm>>) dst(%arg13 : memref<128x128xf32, #tpu.memory_space<vmem>>)
      %run_scoped3A_692 = arith.constant 4 : i32
      "tpu.region"() ({
        %run_scoped3A_1098 = tpu.sem_alloc : memref<!tpu.dma_semaphore, #tpu.memory_space<semaphore_mem>>
        %dma_start3A_1099 = arith.constant 0 : i32
        %dma_start3A_1100 = tpu.memref_slice %arg11[%run_scoped3A_692, %dma_start3A_1099] : memref<8x128xi32, #tpu.memory_space<vmem>> -> memref<1x128xi32, #tpu.memory_space<vmem>>
        %dma_start3A_1101 = tpu.memref_squeeze %dma_start3A_1100 : memref<1x128xi32, #tpu.memory_space<vmem>> -> memref<128xi32, #tpu.memory_space<vmem>>
        %dma_start3A_1102 = arith.constant 0 : i32
        %dma_start3A_1103 = arith.constant 0 : i32
        %dma_start3A_1104 = tpu.memref_slice %arg16[%dma_start3A_1102, %dma_start3A_1103] : memref<10240x128xf32, #tpu.memory_space<vmem_shared>> -> memref<10240x128xf32, #tpu.memory_space<vmem_shared>>
        tpu.enqueue_indirect_dma source(%arg13 : memref<128x128xf32, #tpu.memory_space<vmem>>) target(%dma_start3A_1104 : memref<10240x128xf32, #tpu.memory_space<vmem_shared>>) offsets(%dma_start3A_1101 : memref<128xi32, #tpu.memory_space<vmem>>) semaphore(%run_scoped3A_1098 : memref<!tpu.dma_semaphore, #tpu.memory_space<semaphore_mem>>) {add = true}
        %dma_wait3A_1105 = arith.constant 0 : i32
        %dma_wait3A_1106 = tpu.memref_slice %arg11[%run_scoped3A_692, %dma_wait3A_1105] : memref<8x128xi32, #tpu.memory_space<vmem>> -> memref<1x128xi32, #tpu.memory_space<vmem>>
        %dma_wait3A_1107 = tpu.memref_squeeze %dma_wait3A_1106 : memref<1x128xi32, #tpu.memory_space<vmem>> -> memref<128xi32, #tpu.memory_space<vmem>>
        %dma_wait3A_1108 = arith.constant 0 : i32
        %dma_wait3A_1109 = arith.constant 0 : i32
        %dma_wait3A_1110 = tpu.memref_slice %arg16[%dma_wait3A_1108, %dma_wait3A_1109] : memref<10240x128xf32, #tpu.memory_space<vmem_shared>> -> memref<10240x128xf32, #tpu.memory_space<vmem_shared>>
        tpu.wait_indirect_dma semaphore(%run_scoped3A_1098 : memref<!tpu.dma_semaphore, #tpu.memory_space<semaphore_mem>>) src(%arg13 : memref<128x128xf32, #tpu.memory_space<vmem>>) dst(%dma_wait3A_1110 : memref<10240x128xf32, #tpu.memory_space<vmem_shared>>)
        tpu.yield
      }) : () -> ()
      %dma_start3A_693 = arith.constant 5 : i32
      %dma_start3A_694 = arith.constant 0 : i32
      %dma_start3A_695 = tpu.memref_slice %arg10[%dma_start3A_693, %dma_start3A_694] : memref<8x128xi32, #tpu.memory_space<vmem>> -> memref<1x128xi32, #tpu.memory_space<vmem>>
      %dma_start3A_696 = tpu.memref_squeeze %dma_start3A_695 : memref<1x128xi32, #tpu.memory_space<vmem>> -> memref<128xi32, #tpu.memory_space<vmem>>
      %dma_start3A_697 = arith.constant 0 : i32
      %dma_start3A_698 = arith.constant 0 : i32
      %dma_start3A_699 = tpu.memref_slice %arg7[%dma_start3A_697, %dma_start3A_698] : memref<10000x128xf32, #tpu.memory_space<hbm>> -> memref<10000x128xf32, #tpu.memory_space<hbm>>
      tpu.enqueue_indirect_dma source(%dma_start3A_699 : memref<10000x128xf32, #tpu.memory_space<hbm>>) target(%arg13 : memref<128x128xf32, #tpu.memory_space<vmem>>) offsets(%dma_start3A_696 : memref<128xi32, #tpu.memory_space<vmem>>) semaphore(%arg18 : memref<!tpu.dma_semaphore, #tpu.memory_space<semaphore_mem>>)
      %get3A_700 = arith.constant 5 : i32
      %get3A_701 = arith.index_cast %get3A_700 : i32 to index
      %get3A_702 = arith.constant 0 : index
      %get3A_703 = tpu.vector_load %arg10[%get3A_701, %get3A_702] {strides = array<i32>} : memref<8x128xi32, #tpu.memory_space<vmem>>, vector<16xi32>,
      %get3A_704 = arith.constant 5 : i32
      %get3A_705 = arith.index_cast %get3A_704 : i32 to index
      %get3A_706 = arith.constant 0 : index
      %get3A_707 = tpu.vector_load %arg11[%get3A_705, %get3A_706] {strides = array<i32>} : memref<8x128xi32, #tpu.memory_space<vmem>>, vector<16xi32>,
      %gather3A_708 = tpu.vector_load_idx %arg12[%get3A_703] : memref<10000xf32, #tpu.memory_space<vmem>>[vector<16xi32>], vector<16xf32>,
      %shift_right_arithmetic3A_709 = arith.constant 7 : i32
      %shift_right_arithmetic3A_710 = vector.broadcast %shift_right_arithmetic3A_709 : i32 to vector<16xi32>
      %shift_right_arithmetic3A_711 = arith.shrsi %get3A_707, %shift_right_arithmetic3A_710 : vector<16xi32>
      %and3A_712 = arith.constant 127 : i32
      %and3A_713 = vector.broadcast %and3A_712 : i32 to vector<16xi32>
      %and3A_714 = arith.andi %get3A_707, %and3A_713 : vector<16xi32>
      tpu.vector_store_idx %arg14[%shift_right_arithmetic3A_711, %and3A_714], %gather3A_708 {add = true} : memref<80x128xf32, #tpu.memory_space<vmem>>[vector<16xi32>, vector<16xi32>], vector<16xf32>,
      %get3A_715 = arith.constant 5 : i32
      %get3A_716 = arith.index_cast %get3A_715 : i32 to index
      %get3A_717 = arith.constant 16 : index
      %get3A_718 = tpu.vector_load %arg10[%get3A_716, %get3A_717] {strides = array<i32>} : memref<8x128xi32, #tpu.memory_space<vmem>>, vector<16xi32>,
      %get3A_719 = arith.constant 5 : i32
      %get3A_720 = arith.index_cast %get3A_719 : i32 to index
      %get3A_721 = arith.constant 16 : index
      %get3A_722 = tpu.vector_load %arg11[%get3A_720, %get3A_721] {strides = array<i32>} : memref<8x128xi32, #tpu.memory_space<vmem>>, vector<16xi32>,
      %gather3A_723 = tpu.vector_load_idx %arg12[%get3A_718] : memref<10000xf32, #tpu.memory_space<vmem>>[vector<16xi32>], vector<16xf32>,
      %shift_right_arithmetic3A_724 = arith.constant 7 : i32
      %shift_right_arithmetic3A_725 = vector.broadcast %shift_right_arithmetic3A_724 : i32 to vector<16xi32>
      %shift_right_arithmetic3A_726 = arith.shrsi %get3A_722, %shift_right_arithmetic3A_725 : vector<16xi32>
      %and3A_727 = arith.constant 127 : i32
      %and3A_728 = vector.broadcast %and3A_727 : i32 to vector<16xi32>
      %and3A_729 = arith.andi %get3A_722, %and3A_728 : vector<16xi32>
      tpu.vector_store_idx %arg14[%shift_right_arithmetic3A_726, %and3A_729], %gather3A_723 {add = true} : memref<80x128xf32, #tpu.memory_space<vmem>>[vector<16xi32>, vector<16xi32>], vector<16xf32>,
      %get3A_730 = arith.constant 5 : i32
      %get3A_731 = arith.index_cast %get3A_730 : i32 to index
      %get3A_732 = arith.constant 32 : index
      %get3A_733 = tpu.vector_load %arg10[%get3A_731, %get3A_732] {strides = array<i32>} : memref<8x128xi32, #tpu.memory_space<vmem>>, vector<16xi32>,
      %get3A_734 = arith.constant 5 : i32
      %get3A_735 = arith.index_cast %get3A_734 : i32 to index
      %get3A_736 = arith.constant 32 : index
      %get3A_737 = tpu.vector_load %arg11[%get3A_735, %get3A_736] {strides = array<i32>} : memref<8x128xi32, #tpu.memory_space<vmem>>, vector<16xi32>,
      %gather3A_738 = tpu.vector_load_idx %arg12[%get3A_733] : memref<10000xf32, #tpu.memory_space<vmem>>[vector<16xi32>], vector<16xf32>,
      %shift_right_arithmetic3A_739 = arith.constant 7 : i32
      %shift_right_arithmetic3A_740 = vector.broadcast %shift_right_arithmetic3A_739 : i32 to vector<16xi32>
      %shift_right_arithmetic3A_741 = arith.shrsi %get3A_737, %shift_right_arithmetic3A_740 : vector<16xi32>
      %and3A_742 = arith.constant 127 : i32
      %and3A_743 = vector.broadcast %and3A_742 : i32 to vector<16xi32>
      %and3A_744 = arith.andi %get3A_737, %and3A_743 : vector<16xi32>
      tpu.vector_store_idx %arg14[%shift_right_arithmetic3A_741, %and3A_744], %gather3A_738 {add = true} : memref<80x128xf32, #tpu.memory_space<vmem>>[vector<16xi32>, vector<16xi32>], vector<16xf32>,
      %get3A_745 = arith.constant 5 : i32
      %get3A_746 = arith.index_cast %get3A_745 : i32 to index
      %get3A_747 = arith.constant 48 : index
      %get3A_748 = tpu.vector_load %arg10[%get3A_746, %get3A_747] {strides = array<i32>} : memref<8x128xi32, #tpu.memory_space<vmem>>, vector<16xi32>,
      %get3A_749 = arith.constant 5 : i32
      %get3A_750 = arith.index_cast %get3A_749 : i32 to index
      %get3A_751 = arith.constant 48 : index
      %get3A_752 = tpu.vector_load %arg11[%get3A_750, %get3A_751] {strides = array<i32>} : memref<8x128xi32, #tpu.memory_space<vmem>>, vector<16xi32>,
      %gather3A_753 = tpu.vector_load_idx %arg12[%get3A_748] : memref<10000xf32, #tpu.memory_space<vmem>>[vector<16xi32>], vector<16xf32>,
      %shift_right_arithmetic3A_754 = arith.constant 7 : i32
      %shift_right_arithmetic3A_755 = vector.broadcast %shift_right_arithmetic3A_754 : i32 to vector<16xi32>
      %shift_right_arithmetic3A_756 = arith.shrsi %get3A_752, %shift_right_arithmetic3A_755 : vector<16xi32>
      %and3A_757 = arith.constant 127 : i32
      %and3A_758 = vector.broadcast %and3A_757 : i32 to vector<16xi32>
      %and3A_759 = arith.andi %get3A_752, %and3A_758 : vector<16xi32>
      tpu.vector_store_idx %arg14[%shift_right_arithmetic3A_756, %and3A_759], %gather3A_753 {add = true} : memref<80x128xf32, #tpu.memory_space<vmem>>[vector<16xi32>, vector<16xi32>], vector<16xf32>,
      %get3A_760 = arith.constant 5 : i32
      %get3A_761 = arith.index_cast %get3A_760 : i32 to index
      %get3A_762 = arith.constant 64 : index
      %get3A_763 = tpu.vector_load %arg10[%get3A_761, %get3A_762] {strides = array<i32>} : memref<8x128xi32, #tpu.memory_space<vmem>>, vector<16xi32>,
      %get3A_764 = arith.constant 5 : i32
      %get3A_765 = arith.index_cast %get3A_764 : i32 to index
      %get3A_766 = arith.constant 64 : index
      %get3A_767 = tpu.vector_load %arg11[%get3A_765, %get3A_766] {strides = array<i32>} : memref<8x128xi32, #tpu.memory_space<vmem>>, vector<16xi32>,
      %gather3A_768 = tpu.vector_load_idx %arg12[%get3A_763] : memref<10000xf32, #tpu.memory_space<vmem>>[vector<16xi32>], vector<16xf32>,
      %shift_right_arithmetic3A_769 = arith.constant 7 : i32
      %shift_right_arithmetic3A_770 = vector.broadcast %shift_right_arithmetic3A_769 : i32 to vector<16xi32>
      %shift_right_arithmetic3A_771 = arith.shrsi %get3A_767, %shift_right_arithmetic3A_770 : vector<16xi32>
      %and3A_772 = arith.constant 127 : i32
      %and3A_773 = vector.broadcast %and3A_772 : i32 to vector<16xi32>
      %and3A_774 = arith.andi %get3A_767, %and3A_773 : vector<16xi32>
      tpu.vector_store_idx %arg14[%shift_right_arithmetic3A_771, %and3A_774], %gather3A_768 {add = true} : memref<80x128xf32, #tpu.memory_space<vmem>>[vector<16xi32>, vector<16xi32>], vector<16xf32>,
      %get3A_775 = arith.constant 5 : i32
      %get3A_776 = arith.index_cast %get3A_775 : i32 to index
      %get3A_777 = arith.constant 80 : index
      %get3A_778 = tpu.vector_load %arg10[%get3A_776, %get3A_777] {strides = array<i32>} : memref<8x128xi32, #tpu.memory_space<vmem>>, vector<16xi32>,
      %get3A_779 = arith.constant 5 : i32
      %get3A_780 = arith.index_cast %get3A_779 : i32 to index
      %get3A_781 = arith.constant 80 : index
      %get3A_782 = tpu.vector_load %arg11[%get3A_780, %get3A_781] {strides = array<i32>} : memref<8x128xi32, #tpu.memory_space<vmem>>, vector<16xi32>,
      %gather3A_783 = tpu.vector_load_idx %arg12[%get3A_778] : memref<10000xf32, #tpu.memory_space<vmem>>[vector<16xi32>], vector<16xf32>,
      %shift_right_arithmetic3A_784 = arith.constant 7 : i32
      %shift_right_arithmetic3A_785 = vector.broadcast %shift_right_arithmetic3A_784 : i32 to vector<16xi32>
      %shift_right_arithmetic3A_786 = arith.shrsi %get3A_782, %shift_right_arithmetic3A_785 : vector<16xi32>
      %and3A_787 = arith.constant 127 : i32
      %and3A_788 = vector.broadcast %and3A_787 : i32 to vector<16xi32>
      %and3A_789 = arith.andi %get3A_782, %and3A_788 : vector<16xi32>
      tpu.vector_store_idx %arg14[%shift_right_arithmetic3A_786, %and3A_789], %gather3A_783 {add = true} : memref<80x128xf32, #tpu.memory_space<vmem>>[vector<16xi32>, vector<16xi32>], vector<16xf32>,
      %get3A_790 = arith.constant 5 : i32
      %get3A_791 = arith.index_cast %get3A_790 : i32 to index
      %get3A_792 = arith.constant 96 : index
      %get3A_793 = tpu.vector_load %arg10[%get3A_791, %get3A_792] {strides = array<i32>} : memref<8x128xi32, #tpu.memory_space<vmem>>, vector<16xi32>,
      %get3A_794 = arith.constant 5 : i32
      %get3A_795 = arith.index_cast %get3A_794 : i32 to index
      %get3A_796 = arith.constant 96 : index
      %get3A_797 = tpu.vector_load %arg11[%get3A_795, %get3A_796] {strides = array<i32>} : memref<8x128xi32, #tpu.memory_space<vmem>>, vector<16xi32>,
      %gather3A_798 = tpu.vector_load_idx %arg12[%get3A_793] : memref<10000xf32, #tpu.memory_space<vmem>>[vector<16xi32>], vector<16xf32>,
      %shift_right_arithmetic3A_799 = arith.constant 7 : i32
      %shift_right_arithmetic3A_800 = vector.broadcast %shift_right_arithmetic3A_799 : i32 to vector<16xi32>
      %shift_right_arithmetic3A_801 = arith.shrsi %get3A_797, %shift_right_arithmetic3A_800 : vector<16xi32>
      %and3A_802 = arith.constant 127 : i32
      %and3A_803 = vector.broadcast %and3A_802 : i32 to vector<16xi32>
      %and3A_804 = arith.andi %get3A_797, %and3A_803 : vector<16xi32>
      tpu.vector_store_idx %arg14[%shift_right_arithmetic3A_801, %and3A_804], %gather3A_798 {add = true} : memref<80x128xf32, #tpu.memory_space<vmem>>[vector<16xi32>, vector<16xi32>], vector<16xf32>,
      %get3A_805 = arith.constant 5 : i32
      %get3A_806 = arith.index_cast %get3A_805 : i32 to index
      %get3A_807 = arith.constant 112 : index
      %get3A_808 = tpu.vector_load %arg10[%get3A_806, %get3A_807] {strides = array<i32>} : memref<8x128xi32, #tpu.memory_space<vmem>>, vector<16xi32>,
      %get3A_809 = arith.constant 5 : i32
      %get3A_810 = arith.index_cast %get3A_809 : i32 to index
      %get3A_811 = arith.constant 112 : index
      %get3A_812 = tpu.vector_load %arg11[%get3A_810, %get3A_811] {strides = array<i32>} : memref<8x128xi32, #tpu.memory_space<vmem>>, vector<16xi32>,
      %gather3A_813 = tpu.vector_load_idx %arg12[%get3A_808] : memref<10000xf32, #tpu.memory_space<vmem>>[vector<16xi32>], vector<16xf32>,
      %shift_right_arithmetic3A_814 = arith.constant 7 : i32
      %shift_right_arithmetic3A_815 = vector.broadcast %shift_right_arithmetic3A_814 : i32 to vector<16xi32>
      %shift_right_arithmetic3A_816 = arith.shrsi %get3A_812, %shift_right_arithmetic3A_815 : vector<16xi32>
      %and3A_817 = arith.constant 127 : i32
      %and3A_818 = vector.broadcast %and3A_817 : i32 to vector<16xi32>
      %and3A_819 = arith.andi %get3A_812, %and3A_818 : vector<16xi32>
      tpu.vector_store_idx %arg14[%shift_right_arithmetic3A_816, %and3A_819], %gather3A_813 {add = true} : memref<80x128xf32, #tpu.memory_space<vmem>>[vector<16xi32>, vector<16xi32>], vector<16xf32>,
      %dma_wait3A_820 = arith.constant 5 : i32
      %dma_wait3A_821 = arith.constant 0 : i32
      %dma_wait3A_822 = tpu.memref_slice %arg10[%dma_wait3A_820, %dma_wait3A_821] : memref<8x128xi32, #tpu.memory_space<vmem>> -> memref<1x128xi32, #tpu.memory_space<vmem>>
      %dma_wait3A_823 = tpu.memref_squeeze %dma_wait3A_822 : memref<1x128xi32, #tpu.memory_space<vmem>> -> memref<128xi32, #tpu.memory_space<vmem>>
      %dma_wait3A_824 = arith.constant 0 : i32
      %dma_wait3A_825 = arith.constant 0 : i32
      %dma_wait3A_826 = tpu.memref_slice %arg7[%dma_wait3A_824, %dma_wait3A_825] : memref<10000x128xf32, #tpu.memory_space<hbm>> -> memref<10000x128xf32, #tpu.memory_space<hbm>>
      tpu.wait_indirect_dma semaphore(%arg18 : memref<!tpu.dma_semaphore, #tpu.memory_space<semaphore_mem>>) src(%dma_wait3A_826 : memref<10000x128xf32, #tpu.memory_space<hbm>>) dst(%arg13 : memref<128x128xf32, #tpu.memory_space<vmem>>)
      %run_scoped3A_827 = arith.constant 5 : i32
      "tpu.region"() ({
        %run_scoped3A_1098 = tpu.sem_alloc : memref<!tpu.dma_semaphore, #tpu.memory_space<semaphore_mem>>
        %dma_start3A_1099 = arith.constant 0 : i32
        %dma_start3A_1100 = tpu.memref_slice %arg11[%run_scoped3A_827, %dma_start3A_1099] : memref<8x128xi32, #tpu.memory_space<vmem>> -> memref<1x128xi32, #tpu.memory_space<vmem>>
        %dma_start3A_1101 = tpu.memref_squeeze %dma_start3A_1100 : memref<1x128xi32, #tpu.memory_space<vmem>> -> memref<128xi32, #tpu.memory_space<vmem>>
        %dma_start3A_1102 = arith.constant 0 : i32
        %dma_start3A_1103 = arith.constant 0 : i32
        %dma_start3A_1104 = tpu.memref_slice %arg16[%dma_start3A_1102, %dma_start3A_1103] : memref<10240x128xf32, #tpu.memory_space<vmem_shared>> -> memref<10240x128xf32, #tpu.memory_space<vmem_shared>>
        tpu.enqueue_indirect_dma source(%arg13 : memref<128x128xf32, #tpu.memory_space<vmem>>) target(%dma_start3A_1104 : memref<10240x128xf32, #tpu.memory_space<vmem_shared>>) offsets(%dma_start3A_1101 : memref<128xi32, #tpu.memory_space<vmem>>) semaphore(%run_scoped3A_1098 : memref<!tpu.dma_semaphore, #tpu.memory_space<semaphore_mem>>) {add = true}
        %dma_wait3A_1105 = arith.constant 0 : i32
        %dma_wait3A_1106 = tpu.memref_slice %arg11[%run_scoped3A_827, %dma_wait3A_1105] : memref<8x128xi32, #tpu.memory_space<vmem>> -> memref<1x128xi32, #tpu.memory_space<vmem>>
        %dma_wait3A_1107 = tpu.memref_squeeze %dma_wait3A_1106 : memref<1x128xi32, #tpu.memory_space<vmem>> -> memref<128xi32, #tpu.memory_space<vmem>>
        %dma_wait3A_1108 = arith.constant 0 : i32
        %dma_wait3A_1109 = arith.constant 0 : i32
        %dma_wait3A_1110 = tpu.memref_slice %arg16[%dma_wait3A_1108, %dma_wait3A_1109] : memref<10240x128xf32, #tpu.memory_space<vmem_shared>> -> memref<10240x128xf32, #tpu.memory_space<vmem_shared>>
        tpu.wait_indirect_dma semaphore(%run_scoped3A_1098 : memref<!tpu.dma_semaphore, #tpu.memory_space<semaphore_mem>>) src(%arg13 : memref<128x128xf32, #tpu.memory_space<vmem>>) dst(%dma_wait3A_1110 : memref<10240x128xf32, #tpu.memory_space<vmem_shared>>)
        tpu.yield
      }) : () -> ()
      %dma_start3A_828 = arith.constant 6 : i32
      %dma_start3A_829 = arith.constant 0 : i32
      %dma_start3A_830 = tpu.memref_slice %arg10[%dma_start3A_828, %dma_start3A_829] : memref<8x128xi32, #tpu.memory_space<vmem>> -> memref<1x128xi32, #tpu.memory_space<vmem>>
      %dma_start3A_831 = tpu.memref_squeeze %dma_start3A_830 : memref<1x128xi32, #tpu.memory_space<vmem>> -> memref<128xi32, #tpu.memory_space<vmem>>
      %dma_start3A_832 = arith.constant 0 : i32
      %dma_start3A_833 = arith.constant 0 : i32
      %dma_start3A_834 = tpu.memref_slice %arg7[%dma_start3A_832, %dma_start3A_833] : memref<10000x128xf32, #tpu.memory_space<hbm>> -> memref<10000x128xf32, #tpu.memory_space<hbm>>
      tpu.enqueue_indirect_dma source(%dma_start3A_834 : memref<10000x128xf32, #tpu.memory_space<hbm>>) target(%arg13 : memref<128x128xf32, #tpu.memory_space<vmem>>) offsets(%dma_start3A_831 : memref<128xi32, #tpu.memory_space<vmem>>) semaphore(%arg18 : memref<!tpu.dma_semaphore, #tpu.memory_space<semaphore_mem>>)
      %get3A_835 = arith.constant 6 : i32
      %get3A_836 = arith.index_cast %get3A_835 : i32 to index
      %get3A_837 = arith.constant 0 : index
      %get3A_838 = tpu.vector_load %arg10[%get3A_836, %get3A_837] {strides = array<i32>} : memref<8x128xi32, #tpu.memory_space<vmem>>, vector<16xi32>,
      %get3A_839 = arith.constant 6 : i32
      %get3A_840 = arith.index_cast %get3A_839 : i32 to index
      %get3A_841 = arith.constant 0 : index
      %get3A_842 = tpu.vector_load %arg11[%get3A_840, %get3A_841] {strides = array<i32>} : memref<8x128xi32, #tpu.memory_space<vmem>>, vector<16xi32>,
      %gather3A_843 = tpu.vector_load_idx %arg12[%get3A_838] : memref<10000xf32, #tpu.memory_space<vmem>>[vector<16xi32>], vector<16xf32>,
      %shift_right_arithmetic3A_844 = arith.constant 7 : i32
      %shift_right_arithmetic3A_845 = vector.broadcast %shift_right_arithmetic3A_844 : i32 to vector<16xi32>
      %shift_right_arithmetic3A_846 = arith.shrsi %get3A_842, %shift_right_arithmetic3A_845 : vector<16xi32>
      %and3A_847 = arith.constant 127 : i32
      %and3A_848 = vector.broadcast %and3A_847 : i32 to vector<16xi32>
      %and3A_849 = arith.andi %get3A_842, %and3A_848 : vector<16xi32>
      tpu.vector_store_idx %arg14[%shift_right_arithmetic3A_846, %and3A_849], %gather3A_843 {add = true} : memref<80x128xf32, #tpu.memory_space<vmem>>[vector<16xi32>, vector<16xi32>], vector<16xf32>,
      %get3A_850 = arith.constant 6 : i32
      %get3A_851 = arith.index_cast %get3A_850 : i32 to index
      %get3A_852 = arith.constant 16 : index
      %get3A_853 = tpu.vector_load %arg10[%get3A_851, %get3A_852] {strides = array<i32>} : memref<8x128xi32, #tpu.memory_space<vmem>>, vector<16xi32>,
      %get3A_854 = arith.constant 6 : i32
      %get3A_855 = arith.index_cast %get3A_854 : i32 to index
      %get3A_856 = arith.constant 16 : index
      %get3A_857 = tpu.vector_load %arg11[%get3A_855, %get3A_856] {strides = array<i32>} : memref<8x128xi32, #tpu.memory_space<vmem>>, vector<16xi32>,
      %gather3A_858 = tpu.vector_load_idx %arg12[%get3A_853] : memref<10000xf32, #tpu.memory_space<vmem>>[vector<16xi32>], vector<16xf32>,
      %shift_right_arithmetic3A_859 = arith.constant 7 : i32
      %shift_right_arithmetic3A_860 = vector.broadcast %shift_right_arithmetic3A_859 : i32 to vector<16xi32>
      %shift_right_arithmetic3A_861 = arith.shrsi %get3A_857, %shift_right_arithmetic3A_860 : vector<16xi32>
      %and3A_862 = arith.constant 127 : i32
      %and3A_863 = vector.broadcast %and3A_862 : i32 to vector<16xi32>
      %and3A_864 = arith.andi %get3A_857, %and3A_863 : vector<16xi32>
      tpu.vector_store_idx %arg14[%shift_right_arithmetic3A_861, %and3A_864], %gather3A_858 {add = true} : memref<80x128xf32, #tpu.memory_space<vmem>>[vector<16xi32>, vector<16xi32>], vector<16xf32>,
      %get3A_865 = arith.constant 6 : i32
      %get3A_866 = arith.index_cast %get3A_865 : i32 to index
      %get3A_867 = arith.constant 32 : index
      %get3A_868 = tpu.vector_load %arg10[%get3A_866, %get3A_867] {strides = array<i32>} : memref<8x128xi32, #tpu.memory_space<vmem>>, vector<16xi32>,
      %get3A_869 = arith.constant 6 : i32
      %get3A_870 = arith.index_cast %get3A_869 : i32 to index
      %get3A_871 = arith.constant 32 : index
      %get3A_872 = tpu.vector_load %arg11[%get3A_870, %get3A_871] {strides = array<i32>} : memref<8x128xi32, #tpu.memory_space<vmem>>, vector<16xi32>,
      %gather3A_873 = tpu.vector_load_idx %arg12[%get3A_868] : memref<10000xf32, #tpu.memory_space<vmem>>[vector<16xi32>], vector<16xf32>,
      %shift_right_arithmetic3A_874 = arith.constant 7 : i32
      %shift_right_arithmetic3A_875 = vector.broadcast %shift_right_arithmetic3A_874 : i32 to vector<16xi32>
      %shift_right_arithmetic3A_876 = arith.shrsi %get3A_872, %shift_right_arithmetic3A_875 : vector<16xi32>
      %and3A_877 = arith.constant 127 : i32
      %and3A_878 = vector.broadcast %and3A_877 : i32 to vector<16xi32>
      %and3A_879 = arith.andi %get3A_872, %and3A_878 : vector<16xi32>
      tpu.vector_store_idx %arg14[%shift_right_arithmetic3A_876, %and3A_879], %gather3A_873 {add = true} : memref<80x128xf32, #tpu.memory_space<vmem>>[vector<16xi32>, vector<16xi32>], vector<16xf32>,
      %get3A_880 = arith.constant 6 : i32
      %get3A_881 = arith.index_cast %get3A_880 : i32 to index
      %get3A_882 = arith.constant 48 : index
      %get3A_883 = tpu.vector_load %arg10[%get3A_881, %get3A_882] {strides = array<i32>} : memref<8x128xi32, #tpu.memory_space<vmem>>, vector<16xi32>,
      %get3A_884 = arith.constant 6 : i32
      %get3A_885 = arith.index_cast %get3A_884 : i32 to index
      %get3A_886 = arith.constant 48 : index
      %get3A_887 = tpu.vector_load %arg11[%get3A_885, %get3A_886] {strides = array<i32>} : memref<8x128xi32, #tpu.memory_space<vmem>>, vector<16xi32>,
      %gather3A_888 = tpu.vector_load_idx %arg12[%get3A_883] : memref<10000xf32, #tpu.memory_space<vmem>>[vector<16xi32>], vector<16xf32>,
      %shift_right_arithmetic3A_889 = arith.constant 7 : i32
      %shift_right_arithmetic3A_890 = vector.broadcast %shift_right_arithmetic3A_889 : i32 to vector<16xi32>
      %shift_right_arithmetic3A_891 = arith.shrsi %get3A_887, %shift_right_arithmetic3A_890 : vector<16xi32>
      %and3A_892 = arith.constant 127 : i32
      %and3A_893 = vector.broadcast %and3A_892 : i32 to vector<16xi32>
      %and3A_894 = arith.andi %get3A_887, %and3A_893 : vector<16xi32>
      tpu.vector_store_idx %arg14[%shift_right_arithmetic3A_891, %and3A_894], %gather3A_888 {add = true} : memref<80x128xf32, #tpu.memory_space<vmem>>[vector<16xi32>, vector<16xi32>], vector<16xf32>,
      %get3A_895 = arith.constant 6 : i32
      %get3A_896 = arith.index_cast %get3A_895 : i32 to index
      %get3A_897 = arith.constant 64 : index
      %get3A_898 = tpu.vector_load %arg10[%get3A_896, %get3A_897] {strides = array<i32>} : memref<8x128xi32, #tpu.memory_space<vmem>>, vector<16xi32>,
      %get3A_899 = arith.constant 6 : i32
      %get3A_900 = arith.index_cast %get3A_899 : i32 to index
      %get3A_901 = arith.constant 64 : index
      %get3A_902 = tpu.vector_load %arg11[%get3A_900, %get3A_901] {strides = array<i32>} : memref<8x128xi32, #tpu.memory_space<vmem>>, vector<16xi32>,
      %gather3A_903 = tpu.vector_load_idx %arg12[%get3A_898] : memref<10000xf32, #tpu.memory_space<vmem>>[vector<16xi32>], vector<16xf32>,
      %shift_right_arithmetic3A_904 = arith.constant 7 : i32
      %shift_right_arithmetic3A_905 = vector.broadcast %shift_right_arithmetic3A_904 : i32 to vector<16xi32>
      %shift_right_arithmetic3A_906 = arith.shrsi %get3A_902, %shift_right_arithmetic3A_905 : vector<16xi32>
      %and3A_907 = arith.constant 127 : i32
      %and3A_908 = vector.broadcast %and3A_907 : i32 to vector<16xi32>
      %and3A_909 = arith.andi %get3A_902, %and3A_908 : vector<16xi32>
      tpu.vector_store_idx %arg14[%shift_right_arithmetic3A_906, %and3A_909], %gather3A_903 {add = true} : memref<80x128xf32, #tpu.memory_space<vmem>>[vector<16xi32>, vector<16xi32>], vector<16xf32>,
      %get3A_910 = arith.constant 6 : i32
      %get3A_911 = arith.index_cast %get3A_910 : i32 to index
      %get3A_912 = arith.constant 80 : index
      %get3A_913 = tpu.vector_load %arg10[%get3A_911, %get3A_912] {strides = array<i32>} : memref<8x128xi32, #tpu.memory_space<vmem>>, vector<16xi32>,
      %get3A_914 = arith.constant 6 : i32
      %get3A_915 = arith.index_cast %get3A_914 : i32 to index
      %get3A_916 = arith.constant 80 : index
      %get3A_917 = tpu.vector_load %arg11[%get3A_915, %get3A_916] {strides = array<i32>} : memref<8x128xi32, #tpu.memory_space<vmem>>, vector<16xi32>,
      %gather3A_918 = tpu.vector_load_idx %arg12[%get3A_913] : memref<10000xf32, #tpu.memory_space<vmem>>[vector<16xi32>], vector<16xf32>,
      %shift_right_arithmetic3A_919 = arith.constant 7 : i32
      %shift_right_arithmetic3A_920 = vector.broadcast %shift_right_arithmetic3A_919 : i32 to vector<16xi32>
      %shift_right_arithmetic3A_921 = arith.shrsi %get3A_917, %shift_right_arithmetic3A_920 : vector<16xi32>
      %and3A_922 = arith.constant 127 : i32
      %and3A_923 = vector.broadcast %and3A_922 : i32 to vector<16xi32>
      %and3A_924 = arith.andi %get3A_917, %and3A_923 : vector<16xi32>
      tpu.vector_store_idx %arg14[%shift_right_arithmetic3A_921, %and3A_924], %gather3A_918 {add = true} : memref<80x128xf32, #tpu.memory_space<vmem>>[vector<16xi32>, vector<16xi32>], vector<16xf32>,
      %get3A_925 = arith.constant 6 : i32
      %get3A_926 = arith.index_cast %get3A_925 : i32 to index
      %get3A_927 = arith.constant 96 : index
      %get3A_928 = tpu.vector_load %arg10[%get3A_926, %get3A_927] {strides = array<i32>} : memref<8x128xi32, #tpu.memory_space<vmem>>, vector<16xi32>,
      %get3A_929 = arith.constant 6 : i32
      %get3A_930 = arith.index_cast %get3A_929 : i32 to index
      %get3A_931 = arith.constant 96 : index
      %get3A_932 = tpu.vector_load %arg11[%get3A_930, %get3A_931] {strides = array<i32>} : memref<8x128xi32, #tpu.memory_space<vmem>>, vector<16xi32>,
      %gather3A_933 = tpu.vector_load_idx %arg12[%get3A_928] : memref<10000xf32, #tpu.memory_space<vmem>>[vector<16xi32>], vector<16xf32>,
      %shift_right_arithmetic3A_934 = arith.constant 7 : i32
      %shift_right_arithmetic3A_935 = vector.broadcast %shift_right_arithmetic3A_934 : i32 to vector<16xi32>
      %shift_right_arithmetic3A_936 = arith.shrsi %get3A_932, %shift_right_arithmetic3A_935 : vector<16xi32>
      %and3A_937 = arith.constant 127 : i32
      %and3A_938 = vector.broadcast %and3A_937 : i32 to vector<16xi32>
      %and3A_939 = arith.andi %get3A_932, %and3A_938 : vector<16xi32>
      tpu.vector_store_idx %arg14[%shift_right_arithmetic3A_936, %and3A_939], %gather3A_933 {add = true} : memref<80x128xf32, #tpu.memory_space<vmem>>[vector<16xi32>, vector<16xi32>], vector<16xf32>,
      %get3A_940 = arith.constant 6 : i32
      %get3A_941 = arith.index_cast %get3A_940 : i32 to index
      %get3A_942 = arith.constant 112 : index
      %get3A_943 = tpu.vector_load %arg10[%get3A_941, %get3A_942] {strides = array<i32>} : memref<8x128xi32, #tpu.memory_space<vmem>>, vector<16xi32>,
      %get3A_944 = arith.constant 6 : i32
      %get3A_945 = arith.index_cast %get3A_944 : i32 to index
      %get3A_946 = arith.constant 112 : index
      %get3A_947 = tpu.vector_load %arg11[%get3A_945, %get3A_946] {strides = array<i32>} : memref<8x128xi32, #tpu.memory_space<vmem>>, vector<16xi32>,
      %gather3A_948 = tpu.vector_load_idx %arg12[%get3A_943] : memref<10000xf32, #tpu.memory_space<vmem>>[vector<16xi32>], vector<16xf32>,
      %shift_right_arithmetic3A_949 = arith.constant 7 : i32
      %shift_right_arithmetic3A_950 = vector.broadcast %shift_right_arithmetic3A_949 : i32 to vector<16xi32>
      %shift_right_arithmetic3A_951 = arith.shrsi %get3A_947, %shift_right_arithmetic3A_950 : vector<16xi32>
      %and3A_952 = arith.constant 127 : i32
      %and3A_953 = vector.broadcast %and3A_952 : i32 to vector<16xi32>
      %and3A_954 = arith.andi %get3A_947, %and3A_953 : vector<16xi32>
      tpu.vector_store_idx %arg14[%shift_right_arithmetic3A_951, %and3A_954], %gather3A_948 {add = true} : memref<80x128xf32, #tpu.memory_space<vmem>>[vector<16xi32>, vector<16xi32>], vector<16xf32>,
      %dma_wait3A_955 = arith.constant 6 : i32
      %dma_wait3A_956 = arith.constant 0 : i32
      %dma_wait3A_957 = tpu.memref_slice %arg10[%dma_wait3A_955, %dma_wait3A_956] : memref<8x128xi32, #tpu.memory_space<vmem>> -> memref<1x128xi32, #tpu.memory_space<vmem>>
      %dma_wait3A_958 = tpu.memref_squeeze %dma_wait3A_957 : memref<1x128xi32, #tpu.memory_space<vmem>> -> memref<128xi32, #tpu.memory_space<vmem>>
      %dma_wait3A_959 = arith.constant 0 : i32
      %dma_wait3A_960 = arith.constant 0 : i32
      %dma_wait3A_961 = tpu.memref_slice %arg7[%dma_wait3A_959, %dma_wait3A_960] : memref<10000x128xf32, #tpu.memory_space<hbm>> -> memref<10000x128xf32, #tpu.memory_space<hbm>>
      tpu.wait_indirect_dma semaphore(%arg18 : memref<!tpu.dma_semaphore, #tpu.memory_space<semaphore_mem>>) src(%dma_wait3A_961 : memref<10000x128xf32, #tpu.memory_space<hbm>>) dst(%arg13 : memref<128x128xf32, #tpu.memory_space<vmem>>)
      %run_scoped3A_962 = arith.constant 6 : i32
      "tpu.region"() ({
        %run_scoped3A_1098 = tpu.sem_alloc : memref<!tpu.dma_semaphore, #tpu.memory_space<semaphore_mem>>
        %dma_start3A_1099 = arith.constant 0 : i32
        %dma_start3A_1100 = tpu.memref_slice %arg11[%run_scoped3A_962, %dma_start3A_1099] : memref<8x128xi32, #tpu.memory_space<vmem>> -> memref<1x128xi32, #tpu.memory_space<vmem>>
        %dma_start3A_1101 = tpu.memref_squeeze %dma_start3A_1100 : memref<1x128xi32, #tpu.memory_space<vmem>> -> memref<128xi32, #tpu.memory_space<vmem>>
        %dma_start3A_1102 = arith.constant 0 : i32
        %dma_start3A_1103 = arith.constant 0 : i32
        %dma_start3A_1104 = tpu.memref_slice %arg16[%dma_start3A_1102, %dma_start3A_1103] : memref<10240x128xf32, #tpu.memory_space<vmem_shared>> -> memref<10240x128xf32, #tpu.memory_space<vmem_shared>>
        tpu.enqueue_indirect_dma source(%arg13 : memref<128x128xf32, #tpu.memory_space<vmem>>) target(%dma_start3A_1104 : memref<10240x128xf32, #tpu.memory_space<vmem_shared>>) offsets(%dma_start3A_1101 : memref<128xi32, #tpu.memory_space<vmem>>) semaphore(%run_scoped3A_1098 : memref<!tpu.dma_semaphore, #tpu.memory_space<semaphore_mem>>) {add = true}
        %dma_wait3A_1105 = arith.constant 0 : i32
        %dma_wait3A_1106 = tpu.memref_slice %arg11[%run_scoped3A_962, %dma_wait3A_1105] : memref<8x128xi32, #tpu.memory_space<vmem>> -> memref<1x128xi32, #tpu.memory_space<vmem>>
        %dma_wait3A_1107 = tpu.memref_squeeze %dma_wait3A_1106 : memref<1x128xi32, #tpu.memory_space<vmem>> -> memref<128xi32, #tpu.memory_space<vmem>>
        %dma_wait3A_1108 = arith.constant 0 : i32
        %dma_wait3A_1109 = arith.constant 0 : i32
        %dma_wait3A_1110 = tpu.memref_slice %arg16[%dma_wait3A_1108, %dma_wait3A_1109] : memref<10240x128xf32, #tpu.memory_space<vmem_shared>> -> memref<10240x128xf32, #tpu.memory_space<vmem_shared>>
        tpu.wait_indirect_dma semaphore(%run_scoped3A_1098 : memref<!tpu.dma_semaphore, #tpu.memory_space<semaphore_mem>>) src(%arg13 : memref<128x128xf32, #tpu.memory_space<vmem>>) dst(%dma_wait3A_1110 : memref<10240x128xf32, #tpu.memory_space<vmem_shared>>)
        tpu.yield
      }) : () -> ()
      %dma_start3A_963 = arith.constant 7 : i32
      %dma_start3A_964 = arith.constant 0 : i32
      %dma_start3A_965 = tpu.memref_slice %arg10[%dma_start3A_963, %dma_start3A_964] : memref<8x128xi32, #tpu.memory_space<vmem>> -> memref<1x128xi32, #tpu.memory_space<vmem>>
      %dma_start3A_966 = tpu.memref_squeeze %dma_start3A_965 : memref<1x128xi32, #tpu.memory_space<vmem>> -> memref<128xi32, #tpu.memory_space<vmem>>
      %dma_start3A_967 = arith.constant 0 : i32
      %dma_start3A_968 = arith.constant 0 : i32
      %dma_start3A_969 = tpu.memref_slice %arg7[%dma_start3A_967, %dma_start3A_968] : memref<10000x128xf32, #tpu.memory_space<hbm>> -> memref<10000x128xf32, #tpu.memory_space<hbm>>
      tpu.enqueue_indirect_dma source(%dma_start3A_969 : memref<10000x128xf32, #tpu.memory_space<hbm>>) target(%arg13 : memref<128x128xf32, #tpu.memory_space<vmem>>) offsets(%dma_start3A_966 : memref<128xi32, #tpu.memory_space<vmem>>) semaphore(%arg18 : memref<!tpu.dma_semaphore, #tpu.memory_space<semaphore_mem>>)
      %get3A_970 = arith.constant 7 : i32
      %get3A_971 = arith.index_cast %get3A_970 : i32 to index
      %get3A_972 = arith.constant 0 : index
      %get3A_973 = tpu.vector_load %arg10[%get3A_971, %get3A_972] {strides = array<i32>} : memref<8x128xi32, #tpu.memory_space<vmem>>, vector<16xi32>,
      %get3A_974 = arith.constant 7 : i32
      %get3A_975 = arith.index_cast %get3A_974 : i32 to index
      %get3A_976 = arith.constant 0 : index
      %get3A_977 = tpu.vector_load %arg11[%get3A_975, %get3A_976] {strides = array<i32>} : memref<8x128xi32, #tpu.memory_space<vmem>>, vector<16xi32>,
      %gather3A_978 = tpu.vector_load_idx %arg12[%get3A_973] : memref<10000xf32, #tpu.memory_space<vmem>>[vector<16xi32>], vector<16xf32>,
      %shift_right_arithmetic3A_979 = arith.constant 7 : i32
      %shift_right_arithmetic3A_980 = vector.broadcast %shift_right_arithmetic3A_979 : i32 to vector<16xi32>
      %shift_right_arithmetic3A_981 = arith.shrsi %get3A_977, %shift_right_arithmetic3A_980 : vector<16xi32>
      %and3A_982 = arith.constant 127 : i32
      %and3A_983 = vector.broadcast %and3A_982 : i32 to vector<16xi32>
      %and3A_984 = arith.andi %get3A_977, %and3A_983 : vector<16xi32>
      tpu.vector_store_idx %arg14[%shift_right_arithmetic3A_981, %and3A_984], %gather3A_978 {add = true} : memref<80x128xf32, #tpu.memory_space<vmem>>[vector<16xi32>, vector<16xi32>], vector<16xf32>,
      %get3A_985 = arith.constant 7 : i32
      %get3A_986 = arith.index_cast %get3A_985 : i32 to index
      %get3A_987 = arith.constant 16 : index
      %get3A_988 = tpu.vector_load %arg10[%get3A_986, %get3A_987] {strides = array<i32>} : memref<8x128xi32, #tpu.memory_space<vmem>>, vector<16xi32>,
      %get3A_989 = arith.constant 7 : i32
      %get3A_990 = arith.index_cast %get3A_989 : i32 to index
      %get3A_991 = arith.constant 16 : index
      %get3A_992 = tpu.vector_load %arg11[%get3A_990, %get3A_991] {strides = array<i32>} : memref<8x128xi32, #tpu.memory_space<vmem>>, vector<16xi32>,
      %gather3A_993 = tpu.vector_load_idx %arg12[%get3A_988] : memref<10000xf32, #tpu.memory_space<vmem>>[vector<16xi32>], vector<16xf32>,
      %shift_right_arithmetic3A_994 = arith.constant 7 : i32
      %shift_right_arithmetic3A_995 = vector.broadcast %shift_right_arithmetic3A_994 : i32 to vector<16xi32>
      %shift_right_arithmetic3A_996 = arith.shrsi %get3A_992, %shift_right_arithmetic3A_995 : vector<16xi32>
      %and3A_997 = arith.constant 127 : i32
      %and3A_998 = vector.broadcast %and3A_997 : i32 to vector<16xi32>
      %and3A_999 = arith.andi %get3A_992, %and3A_998 : vector<16xi32>
      tpu.vector_store_idx %arg14[%shift_right_arithmetic3A_996, %and3A_999], %gather3A_993 {add = true} : memref<80x128xf32, #tpu.memory_space<vmem>>[vector<16xi32>, vector<16xi32>], vector<16xf32>,
      %get3A_1000 = arith.constant 7 : i32
      %get3A_1001 = arith.index_cast %get3A_1000 : i32 to index
      %get3A_1002 = arith.constant 32 : index
      %get3A_1003 = tpu.vector_load %arg10[%get3A_1001, %get3A_1002] {strides = array<i32>} : memref<8x128xi32, #tpu.memory_space<vmem>>, vector<16xi32>,
      %get3A_1004 = arith.constant 7 : i32
      %get3A_1005 = arith.index_cast %get3A_1004 : i32 to index
      %get3A_1006 = arith.constant 32 : index
      %get3A_1007 = tpu.vector_load %arg11[%get3A_1005, %get3A_1006] {strides = array<i32>} : memref<8x128xi32, #tpu.memory_space<vmem>>, vector<16xi32>,
      %gather3A_1008 = tpu.vector_load_idx %arg12[%get3A_1003] : memref<10000xf32, #tpu.memory_space<vmem>>[vector<16xi32>], vector<16xf32>,
      %shift_right_arithmetic3A_1009 = arith.constant 7 : i32
      %shift_right_arithmetic3A_1010 = vector.broadcast %shift_right_arithmetic3A_1009 : i32 to vector<16xi32>
      %shift_right_arithmetic3A_1011 = arith.shrsi %get3A_1007, %shift_right_arithmetic3A_1010 : vector<16xi32>
      %and3A_1012 = arith.constant 127 : i32
      %and3A_1013 = vector.broadcast %and3A_1012 : i32 to vector<16xi32>
      %and3A_1014 = arith.andi %get3A_1007, %and3A_1013 : vector<16xi32>
      tpu.vector_store_idx %arg14[%shift_right_arithmetic3A_1011, %and3A_1014], %gather3A_1008 {add = true} : memref<80x128xf32, #tpu.memory_space<vmem>>[vector<16xi32>, vector<16xi32>], vector<16xf32>,
      %get3A_1015 = arith.constant 7 : i32
      %get3A_1016 = arith.index_cast %get3A_1015 : i32 to index
      %get3A_1017 = arith.constant 48 : index
      %get3A_1018 = tpu.vector_load %arg10[%get3A_1016, %get3A_1017] {strides = array<i32>} : memref<8x128xi32, #tpu.memory_space<vmem>>, vector<16xi32>,
      %get3A_1019 = arith.constant 7 : i32
      %get3A_1020 = arith.index_cast %get3A_1019 : i32 to index
      %get3A_1021 = arith.constant 48 : index
      %get3A_1022 = tpu.vector_load %arg11[%get3A_1020, %get3A_1021] {strides = array<i32>} : memref<8x128xi32, #tpu.memory_space<vmem>>, vector<16xi32>,
      %gather3A_1023 = tpu.vector_load_idx %arg12[%get3A_1018] : memref<10000xf32, #tpu.memory_space<vmem>>[vector<16xi32>], vector<16xf32>,
      %shift_right_arithmetic3A_1024 = arith.constant 7 : i32
      %shift_right_arithmetic3A_1025 = vector.broadcast %shift_right_arithmetic3A_1024 : i32 to vector<16xi32>
      %shift_right_arithmetic3A_1026 = arith.shrsi %get3A_1022, %shift_right_arithmetic3A_1025 : vector<16xi32>
      %and3A_1027 = arith.constant 127 : i32
      %and3A_1028 = vector.broadcast %and3A_1027 : i32 to vector<16xi32>
      %and3A_1029 = arith.andi %get3A_1022, %and3A_1028 : vector<16xi32>
      tpu.vector_store_idx %arg14[%shift_right_arithmetic3A_1026, %and3A_1029], %gather3A_1023 {add = true} : memref<80x128xf32, #tpu.memory_space<vmem>>[vector<16xi32>, vector<16xi32>], vector<16xf32>,
      %get3A_1030 = arith.constant 7 : i32
      %get3A_1031 = arith.index_cast %get3A_1030 : i32 to index
      %get3A_1032 = arith.constant 64 : index
      %get3A_1033 = tpu.vector_load %arg10[%get3A_1031, %get3A_1032] {strides = array<i32>} : memref<8x128xi32, #tpu.memory_space<vmem>>, vector<16xi32>,
      %get3A_1034 = arith.constant 7 : i32
      %get3A_1035 = arith.index_cast %get3A_1034 : i32 to index
      %get3A_1036 = arith.constant 64 : index
      %get3A_1037 = tpu.vector_load %arg11[%get3A_1035, %get3A_1036] {strides = array<i32>} : memref<8x128xi32, #tpu.memory_space<vmem>>, vector<16xi32>,
      %gather3A_1038 = tpu.vector_load_idx %arg12[%get3A_1033] : memref<10000xf32, #tpu.memory_space<vmem>>[vector<16xi32>], vector<16xf32>,
      %shift_right_arithmetic3A_1039 = arith.constant 7 : i32
      %shift_right_arithmetic3A_1040 = vector.broadcast %shift_right_arithmetic3A_1039 : i32 to vector<16xi32>
      %shift_right_arithmetic3A_1041 = arith.shrsi %get3A_1037, %shift_right_arithmetic3A_1040 : vector<16xi32>
      %and3A_1042 = arith.constant 127 : i32
      %and3A_1043 = vector.broadcast %and3A_1042 : i32 to vector<16xi32>
      %and3A_1044 = arith.andi %get3A_1037, %and3A_1043 : vector<16xi32>
      tpu.vector_store_idx %arg14[%shift_right_arithmetic3A_1041, %and3A_1044], %gather3A_1038 {add = true} : memref<80x128xf32, #tpu.memory_space<vmem>>[vector<16xi32>, vector<16xi32>], vector<16xf32>,
      %get3A_1045 = arith.constant 7 : i32
      %get3A_1046 = arith.index_cast %get3A_1045 : i32 to index
      %get3A_1047 = arith.constant 80 : index
      %get3A_1048 = tpu.vector_load %arg10[%get3A_1046, %get3A_1047] {strides = array<i32>} : memref<8x128xi32, #tpu.memory_space<vmem>>, vector<16xi32>,
      %get3A_1049 = arith.constant 7 : i32
      %get3A_1050 = arith.index_cast %get3A_1049 : i32 to index
      %get3A_1051 = arith.constant 80 : index
      %get3A_1052 = tpu.vector_load %arg11[%get3A_1050, %get3A_1051] {strides = array<i32>} : memref<8x128xi32, #tpu.memory_space<vmem>>, vector<16xi32>,
      %gather3A_1053 = tpu.vector_load_idx %arg12[%get3A_1048] : memref<10000xf32, #tpu.memory_space<vmem>>[vector<16xi32>], vector<16xf32>,
      %shift_right_arithmetic3A_1054 = arith.constant 7 : i32
      %shift_right_arithmetic3A_1055 = vector.broadcast %shift_right_arithmetic3A_1054 : i32 to vector<16xi32>
      %shift_right_arithmetic3A_1056 = arith.shrsi %get3A_1052, %shift_right_arithmetic3A_1055 : vector<16xi32>
      %and3A_1057 = arith.constant 127 : i32
      %and3A_1058 = vector.broadcast %and3A_1057 : i32 to vector<16xi32>
      %and3A_1059 = arith.andi %get3A_1052, %and3A_1058 : vector<16xi32>
      tpu.vector_store_idx %arg14[%shift_right_arithmetic3A_1056, %and3A_1059], %gather3A_1053 {add = true} : memref<80x128xf32, #tpu.memory_space<vmem>>[vector<16xi32>, vector<16xi32>], vector<16xf32>,
      %get3A_1060 = arith.constant 7 : i32
      %get3A_1061 = arith.index_cast %get3A_1060 : i32 to index
      %get3A_1062 = arith.constant 96 : index
      %get3A_1063 = tpu.vector_load %arg10[%get3A_1061, %get3A_1062] {strides = array<i32>} : memref<8x128xi32, #tpu.memory_space<vmem>>, vector<16xi32>,
      %get3A_1064 = arith.constant 7 : i32
      %get3A_1065 = arith.index_cast %get3A_1064 : i32 to index
      %get3A_1066 = arith.constant 96 : index
      %get3A_1067 = tpu.vector_load %arg11[%get3A_1065, %get3A_1066] {strides = array<i32>} : memref<8x128xi32, #tpu.memory_space<vmem>>, vector<16xi32>,
      %gather3A_1068 = tpu.vector_load_idx %arg12[%get3A_1063] : memref<10000xf32, #tpu.memory_space<vmem>>[vector<16xi32>], vector<16xf32>,
      %shift_right_arithmetic3A_1069 = arith.constant 7 : i32
      %shift_right_arithmetic3A_1070 = vector.broadcast %shift_right_arithmetic3A_1069 : i32 to vector<16xi32>
      %shift_right_arithmetic3A_1071 = arith.shrsi %get3A_1067, %shift_right_arithmetic3A_1070 : vector<16xi32>
      %and3A_1072 = arith.constant 127 : i32
      %and3A_1073 = vector.broadcast %and3A_1072 : i32 to vector<16xi32>
      %and3A_1074 = arith.andi %get3A_1067, %and3A_1073 : vector<16xi32>
      tpu.vector_store_idx %arg14[%shift_right_arithmetic3A_1071, %and3A_1074], %gather3A_1068 {add = true} : memref<80x128xf32, #tpu.memory_space<vmem>>[vector<16xi32>, vector<16xi32>], vector<16xf32>,
      %get3A_1075 = arith.constant 7 : i32
      %get3A_1076 = arith.index_cast %get3A_1075 : i32 to index
      %get3A_1077 = arith.constant 112 : index
      %get3A_1078 = tpu.vector_load %arg10[%get3A_1076, %get3A_1077] {strides = array<i32>} : memref<8x128xi32, #tpu.memory_space<vmem>>, vector<16xi32>,
      %get3A_1079 = arith.constant 7 : i32
      %get3A_1080 = arith.index_cast %get3A_1079 : i32 to index
      %get3A_1081 = arith.constant 112 : index
      %get3A_1082 = tpu.vector_load %arg11[%get3A_1080, %get3A_1081] {strides = array<i32>} : memref<8x128xi32, #tpu.memory_space<vmem>>, vector<16xi32>,
      %gather3A_1083 = tpu.vector_load_idx %arg12[%get3A_1078] : memref<10000xf32, #tpu.memory_space<vmem>>[vector<16xi32>], vector<16xf32>,
      %shift_right_arithmetic3A_1084 = arith.constant 7 : i32
      %shift_right_arithmetic3A_1085 = vector.broadcast %shift_right_arithmetic3A_1084 : i32 to vector<16xi32>
      %shift_right_arithmetic3A_1086 = arith.shrsi %get3A_1082, %shift_right_arithmetic3A_1085 : vector<16xi32>
      %and3A_1087 = arith.constant 127 : i32
      %and3A_1088 = vector.broadcast %and3A_1087 : i32 to vector<16xi32>
      %and3A_1089 = arith.andi %get3A_1082, %and3A_1088 : vector<16xi32>
      tpu.vector_store_idx %arg14[%shift_right_arithmetic3A_1086, %and3A_1089], %gather3A_1083 {add = true} : memref<80x128xf32, #tpu.memory_space<vmem>>[vector<16xi32>, vector<16xi32>], vector<16xf32>,
      %dma_wait3A_1090 = arith.constant 7 : i32
      %dma_wait3A_1091 = arith.constant 0 : i32
      %dma_wait3A_1092 = tpu.memref_slice %arg10[%dma_wait3A_1090, %dma_wait3A_1091] : memref<8x128xi32, #tpu.memory_space<vmem>> -> memref<1x128xi32, #tpu.memory_space<vmem>>
      %dma_wait3A_1093 = tpu.memref_squeeze %dma_wait3A_1092 : memref<1x128xi32, #tpu.memory_space<vmem>> -> memref<128xi32, #tpu.memory_space<vmem>>
      %dma_wait3A_1094 = arith.constant 0 : i32
      %dma_wait3A_1095 = arith.constant 0 : i32
      %dma_wait3A_1096 = tpu.memref_slice %arg7[%dma_wait3A_1094, %dma_wait3A_1095] : memref<10000x128xf32, #tpu.memory_space<hbm>> -> memref<10000x128xf32, #tpu.memory_space<hbm>>
      tpu.wait_indirect_dma semaphore(%arg18 : memref<!tpu.dma_semaphore, #tpu.memory_space<semaphore_mem>>) src(%dma_wait3A_1096 : memref<10000x128xf32, #tpu.memory_space<hbm>>) dst(%arg13 : memref<128x128xf32, #tpu.memory_space<vmem>>)
      %run_scoped3A_1097 = arith.constant 7 : i32
      "tpu.region"() ({
        %run_scoped3A_1098 = tpu.sem_alloc : memref<!tpu.dma_semaphore, #tpu.memory_space<semaphore_mem>>
        %dma_start3A_1099 = arith.constant 0 : i32
        %dma_start3A_1100 = tpu.memref_slice %arg11[%run_scoped3A_1097, %dma_start3A_1099] : memref<8x128xi32, #tpu.memory_space<vmem>> -> memref<1x128xi32, #tpu.memory_space<vmem>>
        %dma_start3A_1101 = tpu.memref_squeeze %dma_start3A_1100 : memref<1x128xi32, #tpu.memory_space<vmem>> -> memref<128xi32, #tpu.memory_space<vmem>>
        %dma_start3A_1102 = arith.constant 0 : i32
        %dma_start3A_1103 = arith.constant 0 : i32
        %dma_start3A_1104 = tpu.memref_slice %arg16[%dma_start3A_1102, %dma_start3A_1103] : memref<10240x128xf32, #tpu.memory_space<vmem_shared>> -> memref<10240x128xf32, #tpu.memory_space<vmem_shared>>
        tpu.enqueue_indirect_dma source(%arg13 : memref<128x128xf32, #tpu.memory_space<vmem>>) target(%dma_start3A_1104 : memref<10240x128xf32, #tpu.memory_space<vmem_shared>>) offsets(%dma_start3A_1101 : memref<128xi32, #tpu.memory_space<vmem>>) semaphore(%run_scoped3A_1098 : memref<!tpu.dma_semaphore, #tpu.memory_space<semaphore_mem>>) {add = true}
        %dma_wait3A_1105 = arith.constant 0 : i32
        %dma_wait3A_1106 = tpu.memref_slice %arg11[%run_scoped3A_1097, %dma_wait3A_1105] : memref<8x128xi32, #tpu.memory_space<vmem>> -> memref<1x128xi32, #tpu.memory_space<vmem>>
        %dma_wait3A_1107 = tpu.memref_squeeze %dma_wait3A_1106 : memref<1x128xi32, #tpu.memory_space<vmem>> -> memref<128xi32, #tpu.memory_space<vmem>>
        %dma_wait3A_1108 = arith.constant 0 : i32
        %dma_wait3A_1109 = arith.constant 0 : i32
        %dma_wait3A_1110 = tpu.memref_slice %arg16[%dma_wait3A_1108, %dma_wait3A_1109] : memref<10240x128xf32, #tpu.memory_space<vmem_shared>> -> memref<10240x128xf32, #tpu.memory_space<vmem_shared>>
        tpu.wait_indirect_dma semaphore(%run_scoped3A_1098 : memref<!tpu.dma_semaphore, #tpu.memory_space<semaphore_mem>>) src(%arg13 : memref<128x128xf32, #tpu.memory_space<vmem>>) dst(%dma_wait3A_1110 : memref<10240x128xf32, #tpu.memory_space<vmem_shared>>)
        tpu.yield
      }) : () -> ()
    }
    %scan3A_9 = arith.constant 10 : i32
    "tpu.region"() ({
      %run_scoped3A = tpu.sem_alloc : memref<!tpu.dma_semaphore, #tpu.memory_space<semaphore_mem>>
      %dma_start3A = arith.constant 0 : i32
      %dma_start3A_20 = arith.constant 0 : i32
      %dma_start3A_21 = tpu.memref_slice %arg17[%dma_start3A, %dma_start3A_20] : memref<80x128xf32, #tpu.memory_space<vmem_shared>> -> memref<80x128xf32, #tpu.memory_space<vmem_shared>>
      tpu.enqueue_indirect_dma source(%arg14 : memref<80x128xf32, #tpu.memory_space<vmem>>) target(%dma_start3A_21 : memref<80x128xf32, #tpu.memory_space<vmem_shared>>) offsets(%arg15 : memref<80xi32, #tpu.memory_space<vmem>>) semaphore(%run_scoped3A : memref<!tpu.dma_semaphore, #tpu.memory_space<semaphore_mem>>) {add = true}
      %dma_wait3A = arith.constant 0 : i32
      %dma_wait3A_22 = arith.constant 0 : i32
      %dma_wait3A_23 = tpu.memref_slice %arg17[%dma_wait3A, %dma_wait3A_22] : memref<80x128xf32, #tpu.memory_space<vmem_shared>> -> memref<80x128xf32, #tpu.memory_space<vmem_shared>>
      tpu.wait_indirect_dma semaphore(%run_scoped3A : memref<!tpu.dma_semaphore, #tpu.memory_space<semaphore_mem>>) src(%arg14 : memref<80x128xf32, #tpu.memory_space<vmem>>) dst(%dma_wait3A_23 : memref<80x128xf32, #tpu.memory_space<vmem_shared>>)
      tpu.yield
    }) : () -> ()
    %barrier3A_10 = arith.constant 0 : index
    tpu.barrier barrier_id(%barrier3A_10)
    %mul3A_11 = arith.constant 640 : i32
    %mul3A_12 = arith.muli %arg1, %mul3A_11 : i32
    %mul3A_13 = arith.constant 640 : i32
    %mul3A_14 = arith.muli %arg1, %mul3A_13 : i32
    "tpu.region"() ({
      %run_scoped3A = tpu.sem_alloc : memref<!tpu.dma_semaphore, #tpu.memory_space<semaphore_mem>>
      %dma_start3A = arith.constant 0 : i32
      %dma_start3A_20 = tpu.memref_slice %arg8[%arg0, %mul3A_14, %dma_start3A] : memref<2x10240x128xf32, #tpu.memory_space<hbm>> -> memref<1x640x128xf32, #tpu.memory_space<hbm>>
      %dma_start3A_21 = tpu.memref_squeeze %dma_start3A_20 : memref<1x640x128xf32, #tpu.memory_space<hbm>> -> memref<640x128xf32, #tpu.memory_space<hbm>>
      %dma_start3A_22 = arith.constant 0 : i32
      %dma_start3A_23 = tpu.memref_slice %arg16[%mul3A_12, %dma_start3A_22] : memref<10240x128xf32, #tpu.memory_space<vmem_shared>> -> memref<640x128xf32, #tpu.memory_space<vmem_shared>>
      tpu.enqueue_dma source(%dma_start3A_23 : memref<640x128xf32, #tpu.memory_space<vmem_shared>>) target(%dma_start3A_21 : memref<640x128xf32, #tpu.memory_space<hbm>>) target_semaphore(%run_scoped3A : memref<!tpu.dma_semaphore, #tpu.memory_space<semaphore_mem>>)
      %dma_wait3A = arith.constant 0 : i32
      %dma_wait3A_24 = tpu.memref_slice %arg8[%arg0, %mul3A_14, %dma_wait3A] : memref<2x10240x128xf32, #tpu.memory_space<hbm>> -> memref<1x640x128xf32, #tpu.memory_space<hbm>>
      %dma_wait3A_25 = tpu.memref_squeeze %dma_wait3A_24 : memref<1x640x128xf32, #tpu.memory_space<hbm>> -> memref<640x128xf32, #tpu.memory_space<hbm>>
      %dma_wait3A_26 = arith.constant 0 : i32
      %dma_wait3A_27 = tpu.memref_slice %arg16[%mul3A_12, %dma_wait3A_26] : memref<10240x128xf32, #tpu.memory_space<vmem_shared>> -> memref<640x128xf32, #tpu.memory_space<vmem_shared>>
      tpu.wait_dma2 semaphore(%run_scoped3A : memref<!tpu.dma_semaphore, #tpu.memory_space<semaphore_mem>>) src(%dma_wait3A_27 : memref<640x128xf32, #tpu.memory_space<vmem_shared>>) dst(%dma_wait3A_25 : memref<640x128xf32, #tpu.memory_space<hbm>>)
      tpu.yield
    }) : () -> ()
    %eq3A_15 = arith.constant 0 : i32
    %eq3A_16 = arith.cmpi eq, %arg1, %eq3A_15 : i32
    %convert_element_type3A_17 = arith.extui %eq3A_16 : i1 to i32
    %cond3A_18 = arith.constant 0 : i32
    %cond3A_19 = arith.cmpi ne, %convert_element_type3A_17, %cond3A_18 : i32
    scf.if %cond3A_19 {
      "tpu.region"() ({
        %run_scoped3A = tpu.sem_alloc : memref<!tpu.dma_semaphore, #tpu.memory_space<semaphore_mem>>
        %dma_start3A = arith.constant 0 : i32
        %dma_start3A_20 = arith.constant 0 : i32
        %dma_start3A_21 = tpu.memref_slice %arg9[%arg0, %dma_start3A, %dma_start3A_20] : memref<2x80x128xf32, #tpu.memory_space<hbm>> -> memref<1x80x128xf32, #tpu.memory_space<hbm>>
        %dma_start3A_22 = tpu.memref_squeeze %dma_start3A_21 : memref<1x80x128xf32, #tpu.memory_space<hbm>> -> memref<80x128xf32, #tpu.memory_space<hbm>>
        tpu.enqueue_dma source(%arg17 : memref<80x128xf32, #tpu.memory_space<vmem_shared>>) target(%dma_start3A_22 : memref<80x128xf32, #tpu.memory_space<hbm>>) target_semaphore(%run_scoped3A : memref<!tpu.dma_semaphore, #tpu.memory_space<semaphore_mem>>)
        %dma_wait3A = arith.constant 0 : i32
        %dma_wait3A_23 = arith.constant 0 : i32
        %dma_wait3A_24 = tpu.memref_slice %arg9[%arg0, %dma_wait3A, %dma_wait3A_23] : memref<2x80x128xf32, #tpu.memory_space<hbm>> -> memref<1x80x128xf32, #tpu.memory_space<hbm>>
        %dma_wait3A_25 = tpu.memref_squeeze %dma_wait3A_24 : memref<1x80x128xf32, #tpu.memory_space<hbm>> -> memref<80x128xf32, #tpu.memory_space<hbm>>
        tpu.wait_dma2 semaphore(%run_scoped3A : memref<!tpu.dma_semaphore, #tpu.memory_space<semaphore_mem>>) src(%arg17 : memref<80x128xf32, #tpu.memory_space<vmem_shared>>) dst(%dma_wait3A_25 : memref<80x128xf32, #tpu.memory_space<hbm>>)
        tpu.yield
      }) : () -> ()
    } else {
    }
    return
  }
}

module attributes {stable_mosaic.version = 14 : i64} {
  func.func @_pre_body(%arg0: i32, %arg1: memref<512x128xf32, #tpu.memory_space<vmem>>, %arg2: memref<128x128xf32, #tpu.memory_space<vmem>>, %arg3: memref<1x128xf32, #tpu.memory_space<vmem>>, %arg4: memref<1x128xf32, #tpu.memory_space<vmem>>, %arg5: memref<512x128xf32, #tpu.memory_space<vmem>>, %arg6: memref<512x128xf32, #tpu.memory_space<vmem>>, %arg7: memref<512x1xf32, #tpu.memory_space<vmem>>) attributes {dimension_semantics = [#tpu.dimension_semantics<arbitrary>], iteration_bounds = array<i64: 20>, scalar_prefetch = 0 : i64, scratch_operands = 0 : i64, tpu.core_type = #tpu.core_type<tc>, window_params = [{transform_indices = @transform_0, window_bounds = array<i64: 512, 128>}, {pipeline_mode = #tpu.pipeline_mode<synchronous>, transform_indices = @transform_1, window_bounds = array<i64: 128, 128>}, {pipeline_mode = #tpu.pipeline_mode<synchronous>, transform_indices = @transform_2, window_bounds = array<i64: 1, 128>}, {pipeline_mode = #tpu.pipeline_mode<synchronous>, transform_indices = @transform_3, window_bounds = array<i64: 1, 128>}, {transform_indices = @transform_4, window_bounds = array<i64: 512, 128>}, {transform_indices = @transform_5, window_bounds = array<i64: 512, 128>}, {transform_indices = @transform_6, window_bounds = array<i64: 512, 1>}]} {
    %get3A = arith.constant 0 : index
    %get3A_0 = arith.constant 0 : index
    %get3A_1 = vector.load %arg1[%get3A, %get3A_0] : memref<512x128xf32, #tpu.memory_space<vmem>>, vector<512x128xf32>
    %get3A_2 = arith.constant 0 : index
    %get3A_3 = arith.constant 0 : index
    %get3A_4 = vector.load %arg2[%get3A_2, %get3A_3] : memref<128x128xf32, #tpu.memory_space<vmem>>, vector<128x128xf32>
    %dot_general3A = arith.constant dense<0.000000e+00> : vector<512x128xf32>
    %dot_general3A_5 = tpu.matmul %get3A_1, %get3A_4, %dot_general3A {dimension_numbers = #tpu.dot_dimension_numbers<[1], [0], [0], [1], [0, 0, 1, 1], [], []>, transpose_lhs_hint = false} : vector<512x128xf32>, vector<128x128xf32>, vector<512x128xf32> -> vector<512x128xf32>
    %get3A_6 = arith.constant 0 : index
    %get3A_7 = arith.constant 0 : index
    %get3A_8 = vector.load %arg3[%get3A_6, %get3A_7] : memref<1x128xf32, #tpu.memory_space<vmem>>, vector<1x128xf32>
    %add3A = vector.broadcast %get3A_8 : vector<1x128xf32> to vector<512x128xf32>
    %add3A_9 = arith.addf %dot_general3A_5, %add3A : vector<512x128xf32>
    %max3A = arith.constant 0.000000e+00 : f32
    %max3A_10 = vector.broadcast %max3A : f32 to vector<512x128xf32>
    %max3A_11 = arith.maximumf %add3A_9, %max3A_10 : vector<512x128xf32>
    %get3A_12 = arith.constant 0 : index
    %get3A_13 = arith.constant 0 : index
    %get3A_14 = vector.load %arg4[%get3A_12, %get3A_13] : memref<1x128xf32, #tpu.memory_space<vmem>>, vector<1x128xf32>
    %mul3A = vector.broadcast %get3A_14 : vector<1x128xf32> to vector<512x128xf32>
    %mul3A_15 = arith.mulf %mul3A, %max3A_11 : vector<512x128xf32>
    %reduce_sum3A = arith.constant dense<0.000000e+00> : vector<512xf32>
    %reduce_sum3A_16 = vector.multi_reduction <add>, %mul3A_15, %reduce_sum3A [1] : vector<512x128xf32> to vector<512xf32>
    %broadcast_in_dim3A = vector.shape_cast %reduce_sum3A_16 : vector<512xf32> to vector<512x1xf32>
    %exp3A = math.exp %broadcast_in_dim3A : vector<512x1xf32>
    %swap3A = arith.constant 0 : index
    %swap3A_17 = arith.constant 0 : index
    %swap3A_18 = vector.load %arg5[%swap3A, %swap3A_17] : memref<512x128xf32, #tpu.memory_space<vmem>>, vector<512x128xf32>
    tpu.vector_store %arg5[%swap3A, %swap3A_17], %add3A_9 {strides = array<i32>} : memref<512x128xf32, #tpu.memory_space<vmem>>, vector<512x128xf32>,
    %mul3A_19 = vector.broadcast %exp3A : vector<512x1xf32> to vector<512x128xf32>
    %mul3A_20 = arith.mulf %add3A_9, %mul3A_19 : vector<512x128xf32>
    %swap3A_21 = arith.constant 0 : index
    %swap3A_22 = arith.constant 0 : index
    %swap3A_23 = vector.load %arg6[%swap3A_21, %swap3A_22] : memref<512x128xf32, #tpu.memory_space<vmem>>, vector<512x128xf32>
    tpu.vector_store %arg6[%swap3A_21, %swap3A_22], %mul3A_20 {strides = array<i32>} : memref<512x128xf32, #tpu.memory_space<vmem>>, vector<512x128xf32>,
    %swap3A_24 = arith.constant 0 : index
    %swap3A_25 = arith.constant 0 : index
    %swap3A_26 = vector.load %arg7[%swap3A_24, %swap3A_25] : memref<512x1xf32, #tpu.memory_space<vmem>>, vector<512x1xf32>
    tpu.vector_store %arg7[%swap3A_24, %swap3A_25], %exp3A {strides = array<i32>} : memref<512x1xf32, #tpu.memory_space<vmem>>, vector<512x1xf32>,
    return
  }
  func.func @transform_0(%arg0: i32) -> (i32, i32) {
    %c0_i32 = arith.constant 0 : i32
    %c0_i32_0 = arith.constant 0 : i32
    return %arg0, %c0_i32 : i32, i32
  }
  func.func @transform_1(%arg0: i32) -> (i32, i32) {
    %c0_i32 = arith.constant 0 : i32
    %c0_i32_0 = arith.constant 0 : i32
    %c0_i32_1 = arith.constant 0 : i32
    return %c0_i32, %c0_i32_0 : i32, i32
  }
  func.func @transform_2(%arg0: i32) -> (i32, i32) {
    %c0_i32 = arith.constant 0 : i32
    %c0_i32_0 = arith.constant 0 : i32
    %c0_i32_1 = arith.constant 0 : i32
    return %c0_i32, %c0_i32_0 : i32, i32
  }
  func.func @transform_3(%arg0: i32) -> (i32, i32) {
    %c0_i32 = arith.constant 0 : i32
    %c0_i32_0 = arith.constant 0 : i32
    %c0_i32_1 = arith.constant 0 : i32
    return %c0_i32, %c0_i32_0 : i32, i32
  }
  func.func @transform_4(%arg0: i32) -> (i32, i32) {
    %c0_i32 = arith.constant 0 : i32
    %c0_i32_0 = arith.constant 0 : i32
    return %arg0, %c0_i32 : i32, i32
  }
  func.func @transform_5(%arg0: i32) -> (i32, i32) {
    %c0_i32 = arith.constant 0 : i32
    %c0_i32_0 = arith.constant 0 : i32
    return %arg0, %c0_i32 : i32, i32
  }
  func.func @transform_6(%arg0: i32) -> (i32, i32) {
    %c0_i32 = arith.constant 0 : i32
    %c0_i32_0 = arith.constant 0 : i32
    return %arg0, %c0_i32 : i32, i32
  }
}

module attributes {stable_mosaic.version = 14 : i64} {
  func.func @_post_body(%arg0: i32, %arg1: memref<2x512x128xf32, #tpu.memory_space<vmem>>, %arg2: memref<512x1xf32, #tpu.memory_space<vmem>>, %arg3: memref<512x128xf32, #tpu.memory_space<vmem>>, %arg4: memref<512x128xf32, #tpu.memory_space<vmem>>) attributes {dimension_semantics = [#tpu.dimension_semantics<arbitrary>], iteration_bounds = array<i64: 20>, scalar_prefetch = 0 : i64, scratch_operands = 0 : i64, tpu.core_type = #tpu.core_type<tc>, window_params = [{transform_indices = @transform_0, window_bounds = array<i64: 2, 512, 128>}, {transform_indices = @transform_1, window_bounds = array<i64: 512, 1>}, {transform_indices = @transform_2, window_bounds = array<i64: 512, 128>}, {transform_indices = @transform_3, window_bounds = array<i64: 512, 128>}]} {
    %get3A = arith.constant 0 : index
    %get3A_0 = arith.constant 0 : index
    %get3A_1 = arith.constant 0 : index
    %get3A_2 = vector.load %arg1[%get3A, %get3A_0, %get3A_1] : memref<2x512x128xf32, #tpu.memory_space<vmem>>, vector<1x512x128xf32>
    %get3A_3 = vector.shape_cast %get3A_2 : vector<1x512x128xf32> to vector<512x128xf32>
    %get3A_4 = arith.constant 1 : index
    %get3A_5 = arith.constant 0 : index
    %get3A_6 = arith.constant 0 : index
    %get3A_7 = vector.load %arg1[%get3A_4, %get3A_5, %get3A_6] : memref<2x512x128xf32, #tpu.memory_space<vmem>>, vector<1x512x128xf32>
    %get3A_8 = vector.shape_cast %get3A_7 : vector<1x512x128xf32> to vector<512x128xf32>
    %add3A = arith.addf %get3A_3, %get3A_8 : vector<512x128xf32>
    %get3A_9 = arith.constant 0 : index
    %get3A_10 = arith.constant 0 : index
    %get3A_11 = vector.load %arg2[%get3A_9, %get3A_10] : memref<512x1xf32, #tpu.memory_space<vmem>>, vector<512x1xf32>
    %add3A_12 = arith.constant 9.99999971E-10 : f32
    %add3A_13 = vector.broadcast %add3A_12 : f32 to vector<512x1xf32>
    %add3A_14 = arith.addf %get3A_11, %add3A_13 : vector<512x1xf32>
    %div3A = vector.broadcast %add3A_14 : vector<512x1xf32> to vector<512x128xf32>
    %div3A_15 = arith.divf %add3A, %div3A : vector<512x128xf32>
    %get3A_16 = arith.constant 0 : index
    %get3A_17 = arith.constant 0 : index
    %get3A_18 = vector.load %arg3[%get3A_16, %get3A_17] : memref<512x128xf32, #tpu.memory_space<vmem>>, vector<512x128xf32>
    %add3A_19 = arith.addf %div3A_15, %get3A_18 : vector<512x128xf32>
    %max3A = arith.constant 0.000000e+00 : f32
    %max3A_20 = vector.broadcast %max3A : f32 to vector<512x128xf32>
    %max3A_21 = arith.maximumf %add3A_19, %max3A_20 : vector<512x128xf32>
    %mul3A = arith.mulf %max3A_21, %max3A_21 : vector<512x128xf32>
    %reduce_sum3A = arith.constant dense<0.000000e+00> : vector<512xf32>
    %reduce_sum3A_22 = vector.multi_reduction <add>, %mul3A, %reduce_sum3A [1] : vector<512x128xf32> to vector<512xf32>
    %broadcast_in_dim3A = vector.shape_cast %reduce_sum3A_22 : vector<512xf32> to vector<512x1xf32>
    %sqrt3A = math.sqrt %broadcast_in_dim3A : vector<512x1xf32>
    %max3A_23 = arith.constant 9.99999996E-13 : f32
    %max3A_24 = vector.broadcast %max3A_23 : f32 to vector<512x1xf32>
    %max3A_25 = arith.maximumf %sqrt3A, %max3A_24 : vector<512x1xf32>
    %div3A_26 = vector.broadcast %max3A_25 : vector<512x1xf32> to vector<512x128xf32>
    %div3A_27 = arith.divf %max3A_21, %div3A_26 : vector<512x128xf32>
    %swap3A = arith.constant 0 : index
    %swap3A_28 = arith.constant 0 : index
    %swap3A_29 = vector.load %arg4[%swap3A, %swap3A_28] : memref<512x128xf32, #tpu.memory_space<vmem>>, vector<512x128xf32>
    tpu.vector_store %arg4[%swap3A, %swap3A_28], %div3A_27 {strides = array<i32>} : memref<512x128xf32, #tpu.memory_space<vmem>>, vector<512x128xf32>,
    return
  }
  func.func @transform_0(%arg0: i32) -> (i32, i32, i32) {
    %c0_i32 = arith.constant 0 : i32
    %c0_i32_0 = arith.constant 0 : i32
    %c0_i32_1 = arith.constant 0 : i32
    return %c0_i32, %arg0, %c0_i32_0 : i32, i32, i32
  }
  func.func @transform_1(%arg0: i32) -> (i32, i32) {
    %c0_i32 = arith.constant 0 : i32
    %c0_i32_0 = arith.constant 0 : i32
    return %arg0, %c0_i32 : i32, i32
  }
  func.func @transform_2(%arg0: i32) -> (i32, i32) {
    %c0_i32 = arith.constant 0 : i32
    %c0_i32_0 = arith.constant 0 : i32
    return %arg0, %c0_i32 : i32, i32
  }
  func.func @transform_3(%arg0: i32) -> (i32, i32) {
    %c0_i32 = arith.constant 0 : i32
    %c0_i32_0 = arith.constant 0 : i32
    return %arg0, %c0_i32 : i32, i32
  }
}

</mosaic_0001>

<sc_bundles>
// kernel: kernel.5.cloned.1.call-start
scs
__scs_entry_jumppad:
0x0: {  	(pc) =	sbr.rel $0x88, $3  }
0x1: {  	(tag) =	ssettag $0x0;
	lr =	simm.s32 $0x1  }
0x2: {  	[smem:$0x3F9C] =	sst lr;
	_ =	strace $0xD0000000  }
0x3: {  	_ = 	snop  }
0x4: {  	_ = 	snop  }
0x5: {  	_ = 	snop  }
0x6: {  	_ = 	snop  }
0x7: {  	_ = 	snop  }
__scs_overlays_trampoline_lowered:
0x8: {  	[smem:$0x3FAB] =	sst s0  }
0x9: {  	[smem:$0x3FAC] =	sst s1  }
0xa: {  	[smem:$0x3FAD] =	sst s2  }
0xb: {  	[smem:$0x3FAE] =	sst s3  }
0xc: {  	[smem:$0x3FAF] =	sst s4  }
0xd: {  	[smem:$0x3FB0] =	sst s5  }
0xe: {  	[smem:$0x3FB1] =	sst s6  }
0xf: {  	[smem:$0x3FB2] =	sst s7  }
0x10: {  	[smem:$0x3FB3] =	sst s8  }
0x11: {  	[smem:$0x3FB4] =	sst s9;
	s0 =	simm.s32 @!p0 $0x0  }
0x12: {  	s1 =	sld [smem:$0x3F9A];
	s0 =	simm.s32 @p0 $0x1  }
0x13: {  	[smem:$0x3FB5] =	sst s0;
	s0 =	simm.s32 @!p1 $0x0  }
0x14: {  	s2 =	sld [smem:$0x3F99];
	s0 =	simm.s32 @p1 $0x1  }
0x15: {  	[smem:$0x3FB6] =	sst s0;
	s0 =	simm.s32 @!p2 $0x0  }
0x16: {  	s3 =	sld [smem:$0x3FDB];
	s0 =	simm.s32 @p2 $0x1  }
0x17: {  	s4 =	simm.s32 $0x1BF5;
	[smem:$0x3FB8] =	sst s0  }
0x18: {  	s0 =	sld [smem:$0x3F9B];
	_ =	swait.ge [sflag:s4], $0x0  }
0x19: {  	s7 =	sld [smem:$0x3F9C]  }
0x1a: {  	s8 =	sadd.s32 $0xFFFFE003, lr  }
0x1b: {  	s9 =	sadd.s32 $0xFFFFFEF7, lr;
	s5 =	simm.s32 $0xFFFFFFFF;
	p2 =	slt.u32 s8, $0xFFFFF086  }
0x1c: {  	p1 =	slt.u32 s9, $0xF7A;
	s5 =	simm.s32 @!p2 $0x0  }
0x1d: {  	s5 =	simm.s32 @p1 $0x1;
	p0 =	seq.s32 s7, s2  }
0x1e: {  	s7 =	smul.u32 @!p0 $0xF7A, s2;
	p2 =	seq.s32 @!p0 s5, $0x0  }
0x1f: {  	s9 =	smul.u32 $0xF7A, s1;
	s8 =	simm.s32 @!p0 $0x1BF5;
	p2 =	por !p2, p0  }
0x20: {  	[sflag:s8] =	ssyncset.s32 @!p0 $0xFFFFF086;
	s6 =	sadd.s32 @!p0 s3, s7;
	s7 =	simm.s32 @!p0 $0x108  }
0x21: {  	s3 =	sadd.s32 s3, s9;
	s6 =	sadd.s32 @!p0 $0x88, s6;
	s7 =	simm.s32 @p2 $0x1082  }
0x22: {  	[simem:s7], [sflag:s8] =	dma.local @!p0 [hbm:s6], $0xF7A  }
0x23: {  	s9 =	sor.u32 $0xD0000000, s2;
	s6 =	simm.s32 $0x108;
	_ =	swait.ge @!p0 [sflag:s8], $0x0  }
0x24: {  	s3 =	sadd.s32 $0x88, s3;
	s6 =	simm.s32 @!p1 $0x1082;
	[sflag:s4] =	ssyncset.s32 $0xFFFFF086  }
0x25: {  	[simem:s6], [sflag:s4] =	dma.local [hbm:s3], $0xF7A  }
0x26: {  	[smem:$0x3F9C] =	sst s1;
	(tag) =	ssettag s2;
	_ =	strace s9  }
0x27: {  	s1 =	sld [smem:$0x3FAC]  }
0x28: {  	s2 =	sld [smem:$0x3FAD]  }
0x29: {  	s4 =	sld [smem:$0x3FAF]  }
0x2a: {  	p0 =	seq.s32 s5, $0x0;
	s5 =	sld [smem:$0x3FB0]  }
0x2b: {  	s6 =	sld [smem:$0x3FB1]  }
0x2c: {  	s7 =	sld [smem:$0x3FB2]  }
0x2d: {  	s3 =	simm.s32 $0x108;
	s8 =	sld [smem:$0x3FB3]  }
0x2e: {  	s3 =	simm.s32 @!p0 $0x1082;
	s9 =	sld [smem:$0x3FB4]  }
0x2f: {  	lr =	sadd.s32 s0, s3;
	s0 =	sld [smem:$0x3FAB]  }
0x30: {  	s3 =	sld [smem:$0x3FAE]  }
0x31: {  	[smem:$0x3FB7] =	sst s10  }
0x32: {  	s10 =	sld [smem:$0x3FB5];
	_ =	sdelay $0x3  }
0x33: {  	p0 =	seq.s32 s10, $0x1;
	s10 =	sld [smem:$0x3FB7];
	_ =	sdelay $0x3  }
0x34: {  	[smem:$0x3FB7] =	sst s10  }
0x35: {  	s10 =	sld [smem:$0x3FB6];
	_ =	sdelay $0x3  }
0x36: {  	p1 =	seq.s32 s10, $0x1;
	s10 =	sld [smem:$0x3FB7];
	_ =	sdelay $0x3  }
0x37: {  	[smem:$0x3FB7] =	sst s10  }
0x38: {  	s10 =	sld [smem:$0x3FB8]  }
0x39: {  	_ = 	snop;
	(pc) =	sbr.ind lr, $3  }
0x3a: {  	_ = 	snop  }
0x3b: {  	_ = 	snop  }
0x3c: {  	p2 =	seq.s32 s10, $0x1;
	s10 =	sld [smem:$0x3FB7]  }
0x3d: {  	_ =	shalt  }
0x3e: {  	_ =	shalt  }
0x3f: {  	_ =	shalt  }
0x40: {  	_ =	shalt  }
0x41: {  	_ =	shalt  }
0x42: {  	_ =	shalt  }
0x43: {  	_ =	shalt  }
0x44: {  	_ =	shalt  }
0x45: {  	_ =	shalt  }
0x46: {  	_ =	shalt  }
0x47: {  	_ =	shalt  }
0x48: {  	_ =	shalt  }
0x49: {  	_ =	shalt  }
0x4a: {  	_ =	shalt  }
0x4b: {  	_ =	shalt  }
0x4c: {  	_ =	shalt  }
0x4d: {  	_ =	shalt  }
0x4e: {  	_ =	shalt  }
0x4f: {  	_ =	shalt  }
0x50: {  	_ =	shalt  }
0x51: {  	_ =	shalt  }
0x52: {  	_ =	shalt  }
0x53: {  	_ =	shalt  }
0x54: {  	_ =	shalt  }
0x55: {  	_ =	shalt  }
0x56: {  	_ =	shalt  }
0x57: {  	_ =	shalt  }
0x58: {  	_ =	shalt  }
0x59: {  	_ =	shalt  }
0x5a: {  	_ =	shalt  }
0x5b: {  	_ =	shalt  }
0x5c: {  	_ =	shalt  }
0x5d: {  	_ =	shalt  }
0x5e: {  	_ =	shalt  }
0x5f: {  	_ =	shalt  }
0x60: {  	_ =	shalt  }
0x61: {  	_ =	shalt  }
0x62: {  	_ =	shalt  }
0x63: {  	_ =	shalt  }
0x64: {  	_ =	shalt  }
0x65: {  	_ =	shalt  }
0x66: {  	_ =	shalt  }
0x67: {  	_ =	shalt  }
0x68: {  	_ =	shalt  }
0x69: {  	_ =	shalt  }
0x6a: {  	_ =	shalt  }
0x6b: {  	_ =	shalt  }
0x6c: {  	_ =	shalt  }
0x6d: {  	_ =	shalt  }
0x6e: {  	_ =	shalt  }
0x6f: {  	_ =	shalt  }
0x70: {  	_ =	shalt  }
0x71: {  	_ =	shalt  }
0x72: {  	_ =	shalt  }
0x73: {  	_ =	shalt  }
0x74: {  	_ =	shalt  }
0x75: {  	_ =	shalt  }
0x76: {  	_ =	shalt  }
0x77: {  	_ =	shalt  }
0x78: {  	_ =	shalt  }
0x79: {  	_ =	shalt  }
0x7a: {  	_ =	shalt  }
0x7b: {  	_ =	shalt  }
0x7c: {  	_ =	shalt  }
0x7d: {  	_ =	shalt  }
0x7e: {  	_ =	shalt  }
0x7f: {  	_ =	shalt  }
0x80: {  	_ =	shalt  }
0x81: {  	_ =	shalt  }
0x82: {  	_ =	shalt  }
0x83: {  	_ =	shalt  }
0x84: {  	_ =	shalt  }
0x85: {  	_ =	shalt  }
0x86: {  	_ =	shalt  }
0x87: {  	_ =	shalt  }
.Lfunc_end0:
.L_simem_size_0:
called_computation_lowered:
.L_overlay_start_0:
0x88: {  	s2 =	sld [smem:$0x3FD9]  }
0x89: {  	s3 =	sld [smem:$0x3FFE];
	_ =	sdelay $0x1  }
0x8a: {  	s1 =	srdreg.scid  }
0x8b: {  	s0 =	sand.u32 $0x1, s1  }
0x8c: {  	s17 =	sshll.u32 s0, $0xA;
	s2 =	sadd.s32 s3, s2  }
0x8d: {  	s2 =	sadd.s32 s2, s17  }
0x8e: {  	[smem:$0x3FC3] =	sst s2  }
0x8f: {  	_ = 	snop  }
0x90: {  	s2 =	sld [smem:$0x3FD0];
	(tm) =	ssettm $0x1  }
0x91: {  	s18 =	sld [smem:$0x3FFB];
	_ =	sdelay $0x3  }
0x92: {  	_ =	strace s18  }
0x93: {  	s3 =	sld [smem:$0x3FFC];
	_ =	sdelay $0x3  }
0x94: {  	_ =	strace s3  }
0x95: {  	s3 =	sld [smem:$0x3FFD];
	_ =	sdelay $0x3  }
0x96: {  	_ =	strace s3  }
0x97: {  	_ =	strace $0x8FFFFFFF  }
0x98: {  	s19 =	sld [smem:$0x3FDB];
	_ =	sdelay $0x1  }
0x99: {  	s4 =	simm.s32 $_scs_section_size  }
0x9a: {  	s5 =	simm.s32 $_size__tile_overlayer_lowered;
	s6 =	simm.s32 $_tile_overlayer_lowered  }
0x9b: {  	s22 =	simm.s32 $0x1BFF;
	s21 =	sshll.u32 s6, $0x1;
	s3 =	sadd.s32 s4, s19  }
0x9c: {  	s7 =	simm.s32 $0x0;
	s20 =	sshll.u32 s5, $0x1;
	s5 =	sadd.s32 s21, s3  }
0x9d: {  	[timem:s7], [sflag:s22] =	dma.local [hbm:s5], s20  }
0x9e: {  	_ =	swait.ge [sflag:s22], s20  }
0x9f: {  	s4 =	ssub.s32 $0x0, s20;
	[sflag:s22] =	ssyncset.done $0x0  }
0xa0: {  	[sflag:s22] =	ssyncadd.s32 s4;
	_ =	sdelay $0x1  }
0xa1: {  	s23 =	simm.s32 $0x1B8B  }
0xa2: {  	_ =	swait.ge [sflag:s23], $0x1  }
0xa3: {  	[sflag:s23] =	ssyncset.done $0x0  }
0xa4: {  	s25 =	simm.s32 $0x1B8E;
	s24 =	sld [smem:$0x3FFE];
	[sflag:s23] =	ssyncadd.s32 $0xFFFFFFFF  }
0xa5: {  	s26 =	simm.s32 $execute0_lowered;
	[smem:$0x3FD2] =	sst s25  }
0xa6: {  	s5 =	sshll.u32 s26, $0x1;
	_ =	strace $0x80000046;
	[dreg:$0x1] =	wrdreg $0xFFFFFFFF  }
0xa7: {  	s28 =	simm.s32 $_size_execute0_lowered;
	s3 =	sadd.s32 s3, s5;
	[dreg:$0x0] =	wrdreg $0x0  }
0xa8: {  	s5 =	sshll.u32 s28, $0x1;
	[dreg:$0x2] =	wrdreg s3  }
0xa9: {  	[dreg:$0x3] =	wrdreg s5  }
0xaa: {  	[dreg:$0x4] =	wrdreg $0xC0  }
0xab: {  	_ =	task [dreg:s7], $0x5FFFF  }
0xac: {  	[dreg:$0x1] =	wrdreg $0xFFFFFFFF  }
0xad: {  	[dreg:$0x0] =	wrdreg $0x60  }
0xae: {  	[dreg:$0x2] =	wrdreg s24  }
0xaf: {  	[dreg:$0x3] =	wrdreg s2  }
0xb0: {  	[dreg:$0x4] =	wrdreg $0x98000  }
0xb1: {  	[dreg:$0x5] =	wrdreg $0x1D8000  }
0xb2: {  	[dreg:$0x6] =	wrdreg $0x9  }
0xb3: {  	_ =	task.clear_ibuf [dreg:s7], $0x7FFFF;
	_ =	strace $0x90000046  }
0xb4: {  	s29 =	simm.s32 $0x9;
	_ =	strace $0x80000048  }
0xb5: {  	_ =	swait.ge [sflag:s29], $0x1  }
0xb6: {  	[sflag:s29] =	ssyncadd.s32 $0xFFFFFFFF  }
0xb7: {  	_ =	strace $0x90000048  }
0xb8: {  	_ =	sfence  }
0xb9: {  	s30 =	sld [smem:$0x0];
	_ =	sdelay $0x2  }
0xba: {  	s31 =	sshll.u32 s1, $0xD;
	s1 =	sshrl.u32 s1, $0x2  }
0xbb: {  	s3 =	sand.u32 $0x4000, s31;
	s1 =	sadd.s32 s1, s30  }
0xbc: {  	s0 =	sor.u32 s3, s0;
	s1 =	sshll.u32 s1, $0x11  }
0xbd: {  	s0 =	sor.u32 s1, s0  }
0xbe: {  	s0 =	sadd.s32 $0x8F2B, s0  }
0xbf: {  	[sflag:s0] =	ssyncadd.remote.s32 $0x1  }
0xc0: {  	_ =	sfence.sel $0xFFFF  }
0xc1: {  	[dreg:$0x0] =	wrdreg $0xFFFFFFFF;
	(pc) =	sbr.abs _section_cstart, $3  }
0xc2: {  	[dreg:$0x1] =	wrdreg $0xFFFFFFFF  }
0xc3: {  	_ =	task.clear_ibuf [dreg:s7], $0x2FFFF;
	_ =	strace $0x9FFFFFFF  }
0xc4: {  	(tm) =	ssettm $0x7FFFFFFF  }
0xc5: {  	_ =	shalt  }
tec
execute0_lowered:
.L_overlay_start_1:
0x0: {  	(tag) =	ssettag $0x1  }
0x1: {  	s2 =	rddreg [dreg:$0x0]  }
0x2: {  	s0 =	rddreg [dreg:$0x1]  }
0x3: {  	s3 =	srdreg.scid;
	s1 =	rddreg [dreg:$0x2]  }
0x4: {  	s6 =	stileid.u32;
	s14 =	rddreg [dreg:$0x3]  }
0x5: {  	s4 =	simm.s32 $0x0;
	s19 =	simm.s32 $0x800;
	s20 =	simm.s32 $0x400  }
0x6: {  	s21 =	simm.s32 $0x80;
	s22 =	simm.s32 $0x2F80;
	s23 =	simm.s32 $0x1  }
0x7: {  	s28 =	simm.s32 $0x180;
	s29 =	simm.s32 $0x580;
	s30 =	simm.s32 $0x200  }
0x8: {  	s31 =	simm.s32 $0x600;
	s18 =	simm.s32 $0x0;
	s7 =	smul.u32 $0x2800, s6  }
0x9: {  	s3 =	sand.u32 $0x1, s3;
	[smem:$0x7FF] =	sst s4;
	s9 =	smul.u32 $0x14000, s6  }
0xa: {  	s25 =	sadd.s32 $0x14A00, s2;
	s10 =	sadd.s32 $0x14800, s2;
	s11 =	smul.u32 $0x50000, s6  }
0xb: {  	s15 =	sshll.u32 s6, $0x6;
	p0 =	sne.s32 s6, $0x0;
	s6 =	simm.s32 $0x300  }
0xc: {  	s5 =	smul.u32 $0x28000, s3;
	_ =	strace $0x80000047;
	[dreg:$0xa] =	wrdreg s25  }
0xd: {  	s24 =	smul.u32 $0x140000, s3;
	[dreg:$0x5] =	wrdreg s10;
	s25 =	simm.s32 $0x100  }
0xe: {  	s10 =	simm.s32 $0x780;
	[dreg:$0xd] =	wrdreg s18;
	s13 =	sshrl.u32 s11, $0x2  }
0xf: {  	s11 =	sor.u32 $0x1C02, s15;
	s15 =	simm.s32 $0x2;
	s5 =	sadd.s32 s7, s5  }
0x10: {  	s7 =	sadd.s32 s9, s24;
	s9 =	smul.u32 $0x500, s3;
	s3 =	ssub.s32 $0x2, s3  }
0x11: {  	s16 =	sadd.s32 s13, s1;
	s24 =	simm.s32 $0x480;
	s8 =	sshrl.u32 s5, $0x3  }
0x12: {  	s5 =	sadd.s32 $0x14200, s2;
	s7 =	sshrl.u32 s7, $0x3;
	s12 =	sshrl.u32 s3, $0x1  }
0x13: {  	s26 =	sadd.s32 s8, s2;
	[dreg:$0x6] =	wrdreg s5;
	s7 =	sadd.s32 s7, s2  }
0x14: {  	s2 =	sadd.s32 s9, s2;
	s3 =	ssub.s32 s3, s12;
	s5 =	simm.s32 $0x9780  }
0x15: {  	s8 =	sshrl.u32 @!p0 s14, $0x3;
	s9 =	simm.s32 $0x380;
	s7 =	sadd.s32 $0x17C00, s7  }
0x16: {  	s2 =	sadd.s32 $0x17200, s2;
	s17 =	smax.u32 s3, $0x1;
	[dreg:$0xc] =	wrdreg s8  }
0x17: {  	s12 =	sadd.s32 $0x200, s26;
	s13 =	sadd.s32 $0xA200, s26;
	[dreg:$0x7] =	wrdreg s7  }
0x18: {  	s26 =	simm.s32 $0x500;
	s3 =	simm.s32 $0x680;
	[dreg:$0x8] =	wrdreg s2  }
0x19: {  	[dreg:$0x9] =	wrdreg s17;
	s17 =	sshrl.u32 s16, $0x3;
	s16 =	simm.s32 $0x6F80  }
0x1a: {  	s2 =	simm.s32 $0x280;
	s7 =	simm.s32 $0x700;
	[dreg:$0xb] =	wrdreg s17  }
.LBB2_1:
0x1b: {  	s18 =	rddreg [dreg:$0xa]  }
0x1c: {  	[spmem:s17], [sflag:s11] =	dma.local [hbm:s18], $0x2800  }
0x1d: {  	_ =	swait.ge [sflag:s15], $0x2800  }
0x1e: {  	[sflag:s15] =	ssyncset.done $0x0  }
0x1f: {  	[sflag:s15] =	ssyncadd.s32 $0xFFFFD800  }
0x20: {  	[tilespmem:s16], [sflag:$0x2] =	stream.linear.gather [hbm4b:s18+s4], $0x2800, $0x38;
	[tilespmem:$0x1DA80] =	vst v63  }
0x21: {  	_ =	swait.ge [sflag:s15], $0x2800  }
0x22: {  	[sflag:s15] =	ssyncset.done $0x0  }
0x23: {  	s14 =	rddreg [dreg:$0x5];
	[sflag:s15] =	ssyncadd.s32 $0xFFFFD800  }
0x24: {  	[tilespmem:s5], [sflag:$0x2] =	stream.linear.gather [hbm4b:s14+s4], $0x80, $0x38;
	[tilespmem:$0x1DA80] =	vst v63  }
0x25: {  	_ =	swait.ge [sflag:s15], $0x80  }
0x26: {  	[sflag:s15] =	ssyncset.done $0x0  }
0x27: {  	s17 =	simm.s32 @!p0 $0x2;
	[sflag:s15] =	ssyncadd.s32 $0xFFFFFF80  }
0x28: {  	[spmem:s8], [sflag:s11] =	dma.local @!p0 [hbm:s18], $0x500  }
0x29: {  	_ =	swait.ge @!p0 [sflag:s17], $0x500  }
0x2a: {  	[sflag:s17] =	ssyncset.done @!p0 $0x0  }
0x2b: {  	[sflag:s17] =	ssyncadd.s32 @!p0 $0xFFFFFB00  }
0x2c: {  	[bflag:$0x0] =	sbarrier.arrive $0xFFFF  }
0x2d: {  	s18 =	rddreg [dreg:$0x6]  }
0x2e: {  	[tilespmem:s19], [sflag:$0x2] =	stream.linear.gather [hbm4b:s18+s4], $0x2780, $0x38;
	[tilespmem:$0x1DA80] =	vst v63  }
0x2f: {  	_ =	swait.ge [sflag:s15], $0x2780  }
0x30: {  	[sflag:s15] =	ssyncset.done $0x0  }
0x31: {  	s8 =	smov.u32 s11;
	s17 =	simm.s32 $0x0;
	[sflag:s15] =	ssyncadd.s32 $0xFFFFD880  }
.LBB2_2:
0x32: {  	s14 =	sadd.s32 s17, s13  }
0x33: {  	[tilespmem:s4], [sflag:$0x2] =	stream.linear.gather [hbm4b:s14+s4], $0x400, $0x38;
	[tilespmem:$0x1DA80] =	vst v63  }
0x34: {  	_ =	swait.ge [sflag:s15], $0x400  }
0x35: {  	[sflag:s15] =	ssyncset.done $0x0  }
0x36: {  	s18 =	sadd.s32 s17, s12;
	[sflag:s15] =	ssyncadd.s32 $0xFFFFFC00  }
0x37: {  	[tilespmem:s20], [sflag:$0x2] =	stream.linear.gather [hbm4b:s18+s4], $0x400, $0x38;
	[tilespmem:$0x1DA80] =	vst v63  }
0x38: {  	_ =	swait.ge [sflag:s15], $0x400  }
0x39: {  	[sflag:s15] =	ssyncset.done $0x0  }
0x3a: {  	[sflag:s15] =	ssyncadd.s32 $0xFFFFFC00  }
0x3b: {  	[tilespmem:s22], [sflag:$0x1] =	stream.indirect.gather [hbm4b:s0+s21], $0x80, s4, s21, $0xb8;
	[tilespmem:$0x1DA80] =	vst v63  }
0x3c: {  	v0 =	vld [tilespmem:$0x0];
	_ =	sdelay $0x4  }
0x3d: {  	v1 =	vld [tilespmem:$0x400];
	_ =	sdelay $0x2  }
0x3e: {  	v0 =	vld.idx.msk [tilespmem:v0+s19+$0x0], $0xffff;
	_ =	sdelay $0x4  }
0x3f: {  	[tilespmem:v1+s16+$0x0] =	vst.idx.add.f32.msk $0xffff, v0  }
0x40: {  	v0 =	vld [tilespmem:$0x10];
	_ =	sdelay $0x4  }
0x41: {  	v1 =	vld [tilespmem:$0x410];
	_ =	sdelay $0x2  }
0x42: {  	v0 =	vld.idx.msk [tilespmem:v0+s19+$0x0], $0xffff;
	_ =	sdelay $0x4  }
0x43: {  	[tilespmem:v1+s16+$0x0] =	vst.idx.add.f32.msk $0xffff, v0  }
0x44: {  	v0 =	vld [tilespmem:$0x20];
	_ =	sdelay $0x4  }
0x45: {  	v1 =	vld [tilespmem:$0x420];
	_ =	sdelay $0x2  }
0x46: {  	v0 =	vld.idx.msk [tilespmem:v0+s19+$0x0], $0xffff;
	_ =	sdelay $0x4  }
0x47: {  	[tilespmem:v1+s16+$0x0] =	vst.idx.add.f32.msk $0xffff, v0  }
0x48: {  	v0 =	vld [tilespmem:$0x30];
	_ =	sdelay $0x4  }
0x49: {  	v1 =	vld [tilespmem:$0x430];
	_ =	sdelay $0x2  }
0x4a: {  	v0 =	vld.idx.msk [tilespmem:v0+s19+$0x0], $0xffff;
	_ =	sdelay $0x4  }
0x4b: {  	[tilespmem:v1+s16+$0x0] =	vst.idx.add.f32.msk $0xffff, v0  }
0x4c: {  	v0 =	vld [tilespmem:$0x40];
	_ =	sdelay $0x4  }
0x4d: {  	v1 =	vld [tilespmem:$0x440];
	_ =	sdelay $0x2  }
0x4e: {  	v0 =	vld.idx.msk [tilespmem:v0+s19+$0x0], $0xffff;
	_ =	sdelay $0x4  }
0x4f: {  	[tilespmem:v1+s16+$0x0] =	vst.idx.add.f32.msk $0xffff, v0  }
0x50: {  	v0 =	vld [tilespmem:$0x50];
	_ =	sdelay $0x4  }
0x51: {  	v1 =	vld [tilespmem:$0x450];
	_ =	sdelay $0x2  }
0x52: {  	v0 =	vld.idx.msk [tilespmem:v0+s19+$0x0], $0xffff;
	_ =	sdelay $0x4  }
0x53: {  	[tilespmem:v1+s16+$0x0] =	vst.idx.add.f32.msk $0xffff, v0  }
0x54: {  	v0 =	vld [tilespmem:$0x60];
	_ =	sdelay $0x4  }
0x55: {  	v1 =	vld [tilespmem:$0x460];
	_ =	sdelay $0x2  }
0x56: {  	v0 =	vld.idx.msk [tilespmem:v0+s19+$0x0], $0xffff;
	_ =	sdelay $0x4  }
0x57: {  	[tilespmem:v1+s16+$0x0] =	vst.idx.add.f32.msk $0xffff, v0  }
0x58: {  	v0 =	vld [tilespmem:$0x70];
	_ =	sdelay $0x4  }
0x59: {  	v1 =	vld [tilespmem:$0x470];
	_ =	sdelay $0x2  }
0x5a: {  	v0 =	vld.idx.msk [tilespmem:v0+s19+$0x0], $0xffff;
	_ =	sdelay $0x4  }
0x5b: {  	[tilespmem:v1+s16+$0x0] =	vst.idx.add.f32.msk $0xffff, v0  }
0x5c: {  	_ =	swait.ge [sflag:s23], $0x4000  }
0x5d: {  	[sflag:s23] =	ssyncset.done $0x0  }
0x5e: {  	[sflag:s23] =	ssyncadd.s32 $0xFFFFC000  }
0x5f: {  	[spmem:s1] =	stream.indirect.scatter.add.f32 [tilespmem:s22], [sflag:$0x2], $0x80, s20, s21, $0xb8;
	[tilespmem:$0x1DA80] =	vst v63  }
0x60: {  	_ =	swait.ge [sflag:s15], $0x4000  }
0x61: {  	[sflag:s15] =	ssyncset.done $0x0  }
0x62: {  	[sflag:s15] =	ssyncadd.s32 $0xFFFFC000  }
0x63: {  	[tilespmem:s22], [sflag:$0x1] =	stream.indirect.gather [hbm4b:s0+s21], $0x80, s21, s21, $0xb8;
	[tilespmem:$0x1DA80] =	vst v63  }
0x64: {  	v50 =	vld [tilespmem:$0x80];
	_ =	sdelay $0x4  }
0x65: {  	v51 =	vld [tilespmem:$0x480];
	_ =	sdelay $0x2  }
0x66: {  	v0 =	vld.idx.msk [tilespmem:v50+s19+$0x0], $0xffff;
	_ =	sdelay $0x4  }
0x67: {  	[tilespmem:v51+s16+$0x0] =	vst.idx.add.f32.msk $0xffff, v0  }
0x68: {  	v0 =	vld [tilespmem:$0x90];
	_ =	sdelay $0x4  }
0x69: {  	v1 =	vld [tilespmem:$0x490];
	_ =	sdelay $0x2  }
0x6a: {  	v0 =	vld.idx.msk [tilespmem:v0+s19+$0x0], $0xffff;
	_ =	sdelay $0x4  }
0x6b: {  	[tilespmem:v1+s16+$0x0] =	vst.idx.add.f32.msk $0xffff, v0  }
0x6c: {  	v0 =	vld [tilespmem:$0xA0];
	_ =	sdelay $0x4  }
0x6d: {  	v1 =	vld [tilespmem:$0x4A0];
	_ =	sdelay $0x2  }
0x6e: {  	v0 =	vld.idx.msk [tilespmem:v0+s19+$0x0], $0xffff;
	_ =	sdelay $0x4  }
0x6f: {  	[tilespmem:v1+s16+$0x0] =	vst.idx.add.f32.msk $0xffff, v0  }
0x70: {  	v0 =	vld [tilespmem:$0xB0];
	_ =	sdelay $0x4  }
0x71: {  	v1 =	vld [tilespmem:$0x4B0];
	_ =	sdelay $0x2  }
0x72: {  	v0 =	vld.idx.msk [tilespmem:v0+s19+$0x0], $0xffff;
	_ =	sdelay $0x4  }
0x73: {  	[tilespmem:v1+s16+$0x0] =	vst.idx.add.f32.msk $0xffff, v0  }
0x74: {  	v0 =	vld [tilespmem:$0xC0];
	_ =	sdelay $0x4  }
0x75: {  	v1 =	vld [tilespmem:$0x4C0];
	_ =	sdelay $0x2  }
0x76: {  	v0 =	vld.idx.msk [tilespmem:v0+s19+$0x0], $0xffff;
	_ =	sdelay $0x4  }
0x77: {  	[tilespmem:v1+s16+$0x0] =	vst.idx.add.f32.msk $0xffff, v0  }
0x78: {  	v0 =	vld [tilespmem:$0xD0];
	_ =	sdelay $0x4  }
0x79: {  	v1 =	vld [tilespmem:$0x4D0];
	_ =	sdelay $0x2  }
0x7a: {  	v0 =	vld.idx.msk [tilespmem:v0+s19+$0x0], $0xffff;
	_ =	sdelay $0x4  }
0x7b: {  	[tilespmem:v1+s16+$0x0] =	vst.idx.add.f32.msk $0xffff, v0  }
0x7c: {  	v0 =	vld [tilespmem:$0xE0];
	_ =	sdelay $0x4  }
0x7d: {  	v1 =	vld [tilespmem:$0x4E0];
	_ =	sdelay $0x2  }
0x7e: {  	v0 =	vld.idx.msk [tilespmem:v0+s19+$0x0], $0xffff;
	_ =	sdelay $0x4  }
0x7f: {  	[tilespmem:v1+s16+$0x0] =	vst.idx.add.f32.msk $0xffff, v0  }
0x80: {  	v0 =	vld [tilespmem:$0xF0];
	_ =	sdelay $0x4  }
0x81: {  	v1 =	vld [tilespmem:$0x4F0];
	_ =	sdelay $0x2  }
0x82: {  	v0 =	vld.idx.msk [tilespmem:v0+s19+$0x0], $0xffff;
	_ =	sdelay $0x4  }
0x83: {  	[tilespmem:v1+s16+$0x0] =	vst.idx.add.f32.msk $0xffff, v0  }
0x84: {  	_ =	swait.ge [sflag:s23], $0x4000  }
0x85: {  	[sflag:s23] =	ssyncset.done $0x0  }
0x86: {  	[sflag:s23] =	ssyncadd.s32 $0xFFFFC000  }
0x87: {  	[spmem:s1] =	stream.indirect.scatter.add.f32 [tilespmem:s22], [sflag:$0x2], $0x80, s24, s21, $0xb8;
	[tilespmem:$0x1DA80] =	vst v63  }
0x88: {  	_ =	swait.ge [sflag:s15], $0x4000  }
0x89: {  	[sflag:s15] =	ssyncset.done $0x0  }
0x8a: {  	[sflag:s15] =	ssyncadd.s32 $0xFFFFC000  }
0x8b: {  	[tilespmem:s22], [sflag:$0x1] =	stream.indirect.gather [hbm4b:s0+s21], $0x80, s25, s21, $0xb8;
	[tilespmem:$0x1DA80] =	vst v63  }
0x8c: {  	v52 =	vld [tilespmem:$0x100];
	_ =	sdelay $0x4  }
0x8d: {  	v53 =	vld [tilespmem:$0x500];
	_ =	sdelay $0x2  }
0x8e: {  	v0 =	vld.idx.msk [tilespmem:v52+s19+$0x0], $0xffff;
	_ =	sdelay $0x4  }
0x8f: {  	[tilespmem:v53+s16+$0x0] =	vst.idx.add.f32.msk $0xffff, v0  }
0x90: {  	v0 =	vld [tilespmem:$0x110];
	_ =	sdelay $0x4  }
0x91: {  	v1 =	vld [tilespmem:$0x510];
	_ =	sdelay $0x2  }
0x92: {  	v0 =	vld.idx.msk [tilespmem:v0+s19+$0x0], $0xffff;
	_ =	sdelay $0x4  }
0x93: {  	[tilespmem:v1+s16+$0x0] =	vst.idx.add.f32.msk $0xffff, v0  }
0x94: {  	v0 =	vld [tilespmem:$0x120];
	_ =	sdelay $0x4  }
0x95: {  	v1 =	vld [tilespmem:$0x520];
	_ =	sdelay $0x2  }
0x96: {  	v0 =	vld.idx.msk [tilespmem:v0+s19+$0x0], $0xffff;
	_ =	sdelay $0x4  }
0x97: {  	[tilespmem:v1+s16+$0x0] =	vst.idx.add.f32.msk $0xffff, v0  }
0x98: {  	v0 =	vld [tilespmem:$0x130];
	_ =	sdelay $0x4  }
0x99: {  	v1 =	vld [tilespmem:$0x530];
	_ =	sdelay $0x2  }
0x9a: {  	v0 =	vld.idx.msk [tilespmem:v0+s19+$0x0], $0xffff;
	_ =	sdelay $0x4  }
0x9b: {  	[tilespmem:v1+s16+$0x0] =	vst.idx.add.f32.msk $0xffff, v0  }
0x9c: {  	v0 =	vld [tilespmem:$0x140];
	_ =	sdelay $0x4  }
0x9d: {  	v1 =	vld [tilespmem:$0x540];
	_ =	sdelay $0x2  }
0x9e: {  	v0 =	vld.idx.msk [tilespmem:v0+s19+$0x0], $0xffff;
	_ =	sdelay $0x4  }
0x9f: {  	[tilespmem:v1+s16+$0x0] =	vst.idx.add.f32.msk $0xffff, v0  }
0xa0: {  	v0 =	vld [tilespmem:$0x150];
	_ =	sdelay $0x4  }
0xa1: {  	v1 =	vld [tilespmem:$0x550];
	_ =	sdelay $0x2  }
0xa2: {  	v0 =	vld.idx.msk [tilespmem:v0+s19+$0x0], $0xffff;
	_ =	sdelay $0x4  }
0xa3: {  	[tilespmem:v1+s16+$0x0] =	vst.idx.add.f32.msk $0xffff, v0  }
0xa4: {  	v0 =	vld [tilespmem:$0x160];
	_ =	sdelay $0x4  }
0xa5: {  	v1 =	vld [tilespmem:$0x560];
	_ =	sdelay $0x2  }
0xa6: {  	v0 =	vld.idx.msk [tilespmem:v0+s19+$0x0], $0xffff;
	_ =	sdelay $0x4  }
0xa7: {  	[tilespmem:v1+s16+$0x0] =	vst.idx.add.f32.msk $0xffff, v0  }
0xa8: {  	v0 =	vld [tilespmem:$0x170];
	_ =	sdelay $0x4  }
0xa9: {  	v1 =	vld [tilespmem:$0x570];
	_ =	sdelay $0x2  }
0xaa: {  	v0 =	vld.idx.msk [tilespmem:v0+s19+$0x0], $0xffff;
	_ =	sdelay $0x4  }
0xab: {  	[tilespmem:v1+s16+$0x0] =	vst.idx.add.f32.msk $0xffff, v0  }
0xac: {  	_ =	swait.ge [sflag:s23], $0x4000  }
0xad: {  	[sflag:s23] =	ssyncset.done $0x0  }
0xae: {  	[sflag:s23] =	ssyncadd.s32 $0xFFFFC000  }
0xaf: {  	[spmem:s1] =	stream.indirect.scatter.add.f32 [tilespmem:s22], [sflag:$0x2], $0x80, s26, s21, $0xb8;
	[tilespmem:$0x1DA80] =	vst v63  }
0xb0: {  	_ =	swait.ge [sflag:s15], $0x4000  }
0xb1: {  	[sflag:s15] =	ssyncset.done $0x0  }
0xb2: {  	[sflag:s15] =	ssyncadd.s32 $0xFFFFC000  }
0xb3: {  	[tilespmem:s22], [sflag:$0x1] =	stream.indirect.gather [hbm4b:s0+s21], $0x80, s28, s21, $0xb8;
	[tilespmem:$0x1DA80] =	vst v63  }
0xb4: {  	v54 =	vld [tilespmem:$0x180];
	_ =	sdelay $0x4  }
0xb5: {  	v55 =	vld [tilespmem:$0x580];
	_ =	sdelay $0x2  }
0xb6: {  	v0 =	vld.idx.msk [tilespmem:v54+s19+$0x0], $0xffff;
	_ =	sdelay $0x4  }
0xb7: {  	[tilespmem:v55+s16+$0x0] =	vst.idx.add.f32.msk $0xffff, v0  }
0xb8: {  	v0 =	vld [tilespmem:$0x190];
	_ =	sdelay $0x4  }
0xb9: {  	v1 =	vld [tilespmem:$0x590];
	_ =	sdelay $0x2  }
0xba: {  	v0 =	vld.idx.msk [tilespmem:v0+s19+$0x0], $0xffff;
	_ =	sdelay $0x4  }
0xbb: {  	[tilespmem:v1+s16+$0x0] =	vst.idx.add.f32.msk $0xffff, v0  }
0xbc: {  	v0 =	vld [tilespmem:$0x1A0];
	_ =	sdelay $0x4  }
0xbd: {  	v1 =	vld [tilespmem:$0x5A0];
	_ =	sdelay $0x2  }
0xbe: {  	v0 =	vld.idx.msk [tilespmem:v0+s19+$0x0], $0xffff;
	_ =	sdelay $0x4  }
0xbf: {  	[tilespmem:v1+s16+$0x0] =	vst.idx.add.f32.msk $0xffff, v0  }
0xc0: {  	v0 =	vld [tilespmem:$0x1B0];
	_ =	sdelay $0x4  }
0xc1: {  	v1 =	vld [tilespmem:$0x5B0];
	_ =	sdelay $0x2  }
0xc2: {  	v0 =	vld.idx.msk [tilespmem:v0+s19+$0x0], $0xffff;
	_ =	sdelay $0x4  }
0xc3: {  	[tilespmem:v1+s16+$0x0] =	vst.idx.add.f32.msk $0xffff, v0  }
0xc4: {  	v0 =	vld [tilespmem:$0x1C0];
	_ =	sdelay $0x4  }
0xc5: {  	v1 =	vld [tilespmem:$0x5C0];
	_ =	sdelay $0x2  }
0xc6: {  	v0 =	vld.idx.msk [tilespmem:v0+s19+$0x0], $0xffff;
	_ =	sdelay $0x4  }
0xc7: {  	[tilespmem:v1+s16+$0x0] =	vst.idx.add.f32.msk $0xffff, v0  }
0xc8: {  	v0 =	vld [tilespmem:$0x1D0];
	_ =	sdelay $0x4  }
0xc9: {  	v1 =	vld [tilespmem:$0x5D0];
	_ =	sdelay $0x2  }
0xca: {  	v0 =	vld.idx.msk [tilespmem:v0+s19+$0x0], $0xffff;
	_ =	sdelay $0x4  }
0xcb: {  	[tilespmem:v1+s16+$0x0] =	vst.idx.add.f32.msk $0xffff, v0  }
0xcc: {  	v0 =	vld [tilespmem:$0x1E0];
	_ =	sdelay $0x4  }
0xcd: {  	v1 =	vld [tilespmem:$0x5E0];
	_ =	sdelay $0x2  }
0xce: {  	v0 =	vld.idx.msk [tilespmem:v0+s19+$0x0], $0xffff;
	_ =	sdelay $0x4  }
0xcf: {  	[tilespmem:v1+s16+$0x0] =	vst.idx.add.f32.msk $0xffff, v0  }
0xd0: {  	v0 =	vld [tilespmem:$0x1F0];
	_ =	sdelay $0x4  }
0xd1: {  	v1 =	vld [tilespmem:$0x5F0];
	_ =	sdelay $0x2  }
0xd2: {  	v0 =	vld.idx.msk [tilespmem:v0+s19+$0x0], $0xffff;
	_ =	sdelay $0x4  }
0xd3: {  	[tilespmem:v1+s16+$0x0] =	vst.idx.add.f32.msk $0xffff, v0  }
0xd4: {  	_ =	swait.ge [sflag:s23], $0x4000  }
0xd5: {  	[sflag:s23] =	ssyncset.done $0x0  }
0xd6: {  	[sflag:s23] =	ssyncadd.s32 $0xFFFFC000  }
0xd7: {  	[spmem:s1] =	stream.indirect.scatter.add.f32 [tilespmem:s22], [sflag:$0x2], $0x80, s29, s21, $0xb8;
	[tilespmem:$0x1DA80] =	vst v63  }
0xd8: {  	_ =	swait.ge [sflag:s15], $0x4000  }
0xd9: {  	[sflag:s15] =	ssyncset.done $0x0  }
0xda: {  	[sflag:s15] =	ssyncadd.s32 $0xFFFFC000  }
0xdb: {  	[tilespmem:s22], [sflag:$0x1] =	stream.indirect.gather [hbm4b:s0+s21], $0x80, s30, s21, $0xb8;
	[tilespmem:$0x1DA80] =	vst v63  }
0xdc: {  	v56 =	vld [tilespmem:$0x200];
	_ =	sdelay $0x4  }
0xdd: {  	v57 =	vld [tilespmem:$0x600];
	_ =	sdelay $0x2  }
0xde: {  	v0 =	vld.idx.msk [tilespmem:v56+s19+$0x0], $0xffff;
	_ =	sdelay $0x4  }
0xdf: {  	[tilespmem:v57+s16+$0x0] =	vst.idx.add.f32.msk $0xffff, v0  }
0xe0: {  	v0 =	vld [tilespmem:$0x210];
	_ =	sdelay $0x4  }
0xe1: {  	v1 =	vld [tilespmem:$0x610];
	_ =	sdelay $0x2  }
0xe2: {  	v0 =	vld.idx.msk [tilespmem:v0+s19+$0x0], $0xffff;
	_ =	sdelay $0x4  }
0xe3: {  	[tilespmem:v1+s16+$0x0] =	vst.idx.add.f32.msk $0xffff, v0  }
0xe4: {  	v0 =	vld [tilespmem:$0x220];
	_ =	sdelay $0x4  }
0xe5: {  	v1 =	vld [tilespmem:$0x620];
	_ =	sdelay $0x2  }
0xe6: {  	v0 =	vld.idx.msk [tilespmem:v0+s19+$0x0], $0xffff;
	_ =	sdelay $0x4  }
0xe7: {  	[tilespmem:v1+s16+$0x0] =	vst.idx.add.f32.msk $0xffff, v0  }
0xe8: {  	v0 =	vld [tilespmem:$0x230];
	_ =	sdelay $0x4  }
0xe9: {  	v1 =	vld [tilespmem:$0x630];
	_ =	sdelay $0x2  }
0xea: {  	v0 =	vld.idx.msk [tilespmem:v0+s19+$0x0], $0xffff;
	_ =	sdelay $0x4  }
0xeb: {  	[tilespmem:v1+s16+$0x0] =	vst.idx.add.f32.msk $0xffff, v0  }
0xec: {  	v0 =	vld [tilespmem:$0x240];
	_ =	sdelay $0x4  }
0xed: {  	v1 =	vld [tilespmem:$0x640];
	_ =	sdelay $0x2  }
0xee: {  	v0 =	vld.idx.msk [tilespmem:v0+s19+$0x0], $0xffff;
	_ =	sdelay $0x4  }
0xef: {  	[tilespmem:v1+s16+$0x0] =	vst.idx.add.f32.msk $0xffff, v0  }
0xf0: {  	v0 =	vld [tilespmem:$0x250];
	_ =	sdelay $0x4  }
0xf1: {  	v1 =	vld [tilespmem:$0x650];
	_ =	sdelay $0x2  }
0xf2: {  	v0 =	vld.idx.msk [tilespmem:v0+s19+$0x0], $0xffff;
	_ =	sdelay $0x4  }
0xf3: {  	[tilespmem:v1+s16+$0x0] =	vst.idx.add.f32.msk $0xffff, v0  }
0xf4: {  	v0 =	vld [tilespmem:$0x260];
	_ =	sdelay $0x4  }
0xf5: {  	v1 =	vld [tilespmem:$0x660];
	_ =	sdelay $0x2  }
0xf6: {  	v0 =	vld.idx.msk [tilespmem:v0+s19+$0x0], $0xffff;
	_ =	sdelay $0x4  }
0xf7: {  	[tilespmem:v1+s16+$0x0] =	vst.idx.add.f32.msk $0xffff, v0  }
0xf8: {  	v0 =	vld [tilespmem:$0x270];
	_ =	sdelay $0x4  }
0xf9: {  	v1 =	vld [tilespmem:$0x670];
	_ =	sdelay $0x2  }
0xfa: {  	v0 =	vld.idx.msk [tilespmem:v0+s19+$0x0], $0xffff;
	_ =	sdelay $0x4  }
0xfb: {  	[tilespmem:v1+s16+$0x0] =	vst.idx.add.f32.msk $0xffff, v0  }
0xfc: {  	_ =	swait.ge [sflag:s23], $0x4000  }
0xfd: {  	[sflag:s23] =	ssyncset.done $0x0  }
0xfe: {  	[sflag:s23] =	ssyncadd.s32 $0xFFFFC000  }
0xff: {  	[spmem:s1] =	stream.indirect.scatter.add.f32 [tilespmem:s22], [sflag:$0x2], $0x80, s31, s21, $0xb8;
	[tilespmem:$0x1DA80] =	vst v63  }
0x100: {  	_ =	swait.ge [sflag:s15], $0x4000  }
0x101: {  	[sflag:s15] =	ssyncset.done $0x0  }
0x102: {  	[sflag:s15] =	ssyncadd.s32 $0xFFFFC000  }
0x103: {  	[tilespmem:s22], [sflag:$0x1] =	stream.indirect.gather [hbm4b:s0+s21], $0x80, s2, s21, $0xb8;
	[tilespmem:$0x1DA80] =	vst v63  }
0x104: {  	v58 =	vld [tilespmem:$0x280];
	_ =	sdelay $0x4  }
0x105: {  	v59 =	vld [tilespmem:$0x680];
	_ =	sdelay $0x2  }
0x106: {  	v0 =	vld.idx.msk [tilespmem:v58+s19+$0x0], $0xffff;
	_ =	sdelay $0x4  }
0x107: {  	[tilespmem:v59+s16+$0x0] =	vst.idx.add.f32.msk $0xffff, v0  }
0x108: {  	v0 =	vld [tilespmem:$0x290];
	_ =	sdelay $0x4  }
0x109: {  	v1 =	vld [tilespmem:$0x690];
	_ =	sdelay $0x2  }
0x10a: {  	v0 =	vld.idx.msk [tilespmem:v0+s19+$0x0], $0xffff;
	_ =	sdelay $0x4  }
0x10b: {  	[tilespmem:v1+s16+$0x0] =	vst.idx.add.f32.msk $0xffff, v0  }
0x10c: {  	v0 =	vld [tilespmem:$0x2A0];
	_ =	sdelay $0x4  }
0x10d: {  	v1 =	vld [tilespmem:$0x6A0];
	_ =	sdelay $0x2  }
0x10e: {  	v0 =	vld.idx.msk [tilespmem:v0+s19+$0x0], $0xffff;
	_ =	sdelay $0x4  }
0x10f: {  	[tilespmem:v1+s16+$0x0] =	vst.idx.add.f32.msk $0xffff, v0  }
0x110: {  	v0 =	vld [tilespmem:$0x2B0];
	_ =	sdelay $0x4  }
0x111: {  	v1 =	vld [tilespmem:$0x6B0];
	_ =	sdelay $0x2  }
0x112: {  	v0 =	vld.idx.msk [tilespmem:v0+s19+$0x0], $0xffff;
	_ =	sdelay $0x4  }
0x113: {  	[tilespmem:v1+s16+$0x0] =	vst.idx.add.f32.msk $0xffff, v0  }
0x114: {  	v0 =	vld [tilespmem:$0x2C0];
	_ =	sdelay $0x4  }
0x115: {  	v1 =	vld [tilespmem:$0x6C0];
	_ =	sdelay $0x2  }
0x116: {  	v0 =	vld.idx.msk [tilespmem:v0+s19+$0x0], $0xffff;
	_ =	sdelay $0x4  }
0x117: {  	[tilespmem:v1+s16+$0x0] =	vst.idx.add.f32.msk $0xffff, v0  }
0x118: {  	v0 =	vld [tilespmem:$0x2D0];
	_ =	sdelay $0x4  }
0x119: {  	v1 =	vld [tilespmem:$0x6D0];
	_ =	sdelay $0x2  }
0x11a: {  	v0 =	vld.idx.msk [tilespmem:v0+s19+$0x0], $0xffff;
	_ =	sdelay $0x4  }
0x11b: {  	[tilespmem:v1+s16+$0x0] =	vst.idx.add.f32.msk $0xffff, v0  }
0x11c: {  	v0 =	vld [tilespmem:$0x2E0];
	_ =	sdelay $0x4  }
0x11d: {  	v1 =	vld [tilespmem:$0x6E0];
	_ =	sdelay $0x2  }
0x11e: {  	v0 =	vld.idx.msk [tilespmem:v0+s19+$0x0], $0xffff;
	_ =	sdelay $0x4  }
0x11f: {  	[tilespmem:v1+s16+$0x0] =	vst.idx.add.f32.msk $0xffff, v0  }
0x120: {  	v0 =	vld [tilespmem:$0x2F0];
	_ =	sdelay $0x4  }
0x121: {  	v1 =	vld [tilespmem:$0x6F0];
	_ =	sdelay $0x2  }
0x122: {  	v0 =	vld.idx.msk [tilespmem:v0+s19+$0x0], $0xffff;
	_ =	sdelay $0x4  }
0x123: {  	[tilespmem:v1+s16+$0x0] =	vst.idx.add.f32.msk $0xffff, v0  }
0x124: {  	_ =	swait.ge [sflag:s23], $0x4000  }
0x125: {  	[sflag:s23] =	ssyncset.done $0x0  }
0x126: {  	[sflag:s23] =	ssyncadd.s32 $0xFFFFC000  }
0x127: {  	[spmem:s1] =	stream.indirect.scatter.add.f32 [tilespmem:s22], [sflag:$0x2], $0x80, s3, s21, $0xb8;
	[tilespmem:$0x1DA80] =	vst v63  }
0x128: {  	_ =	swait.ge [sflag:s15], $0x4000  }
0x129: {  	[sflag:s15] =	ssyncset.done $0x0  }
0x12a: {  	[sflag:s15] =	ssyncadd.s32 $0xFFFFC000  }
0x12b: {  	[tilespmem:s22], [sflag:$0x1] =	stream.indirect.gather [hbm4b:s0+s21], $0x80, s6, s21, $0xb8;
	[tilespmem:$0x1DA80] =	vst v63  }
0x12c: {  	v60 =	vld [tilespmem:$0x300];
	_ =	sdelay $0x4  }
0x12d: {  	v61 =	vld [tilespmem:$0x700];
	_ =	sdelay $0x2  }
0x12e: {  	v0 =	vld.idx.msk [tilespmem:v60+s19+$0x0], $0xffff;
	_ =	sdelay $0x4  }
0x12f: {  	[tilespmem:v61+s16+$0x0] =	vst.idx.add.f32.msk $0xffff, v0  }
0x130: {  	v0 =	vld [tilespmem:$0x310];
	_ =	sdelay $0x4  }
0x131: {  	v1 =	vld [tilespmem:$0x710];
	_ =	sdelay $0x2  }
0x132: {  	v0 =	vld.idx.msk [tilespmem:v0+s19+$0x0], $0xffff;
	_ =	sdelay $0x4  }
0x133: {  	[tilespmem:v1+s16+$0x0] =	vst.idx.add.f32.msk $0xffff, v0  }
0x134: {  	v0 =	vld [tilespmem:$0x320];
	_ =	sdelay $0x4  }
0x135: {  	v1 =	vld [tilespmem:$0x720];
	_ =	sdelay $0x2  }
0x136: {  	v0 =	vld.idx.msk [tilespmem:v0+s19+$0x0], $0xffff;
	_ =	sdelay $0x4  }
0x137: {  	[tilespmem:v1+s16+$0x0] =	vst.idx.add.f32.msk $0xffff, v0  }
0x138: {  	v0 =	vld [tilespmem:$0x330];
	_ =	sdelay $0x4  }
0x139: {  	v1 =	vld [tilespmem:$0x730];
	_ =	sdelay $0x2  }
0x13a: {  	v0 =	vld.idx.msk [tilespmem:v0+s19+$0x0], $0xffff;
	_ =	sdelay $0x4  }
0x13b: {  	[tilespmem:v1+s16+$0x0] =	vst.idx.add.f32.msk $0xffff, v0  }
0x13c: {  	v0 =	vld [tilespmem:$0x340];
	_ =	sdelay $0x4  }
0x13d: {  	v1 =	vld [tilespmem:$0x740];
	_ =	sdelay $0x2  }
0x13e: {  	v0 =	vld.idx.msk [tilespmem:v0+s19+$0x0], $0xffff;
	_ =	sdelay $0x4  }
0x13f: {  	[tilespmem:v1+s16+$0x0] =	vst.idx.add.f32.msk $0xffff, v0  }
0x140: {  	v0 =	vld [tilespmem:$0x350];
	_ =	sdelay $0x4  }
0x141: {  	v1 =	vld [tilespmem:$0x750];
	_ =	sdelay $0x2  }
0x142: {  	v0 =	vld.idx.msk [tilespmem:v0+s19+$0x0], $0xffff;
	_ =	sdelay $0x4  }
0x143: {  	[tilespmem:v1+s16+$0x0] =	vst.idx.add.f32.msk $0xffff, v0  }
0x144: {  	v0 =	vld [tilespmem:$0x360];
	_ =	sdelay $0x4  }
0x145: {  	v1 =	vld [tilespmem:$0x760];
	_ =	sdelay $0x2  }
0x146: {  	v0 =	vld.idx.msk [tilespmem:v0+s19+$0x0], $0xffff;
	_ =	sdelay $0x4  }
0x147: {  	[tilespmem:v1+s16+$0x0] =	vst.idx.add.f32.msk $0xffff, v0  }
0x148: {  	v0 =	vld [tilespmem:$0x370];
	_ =	sdelay $0x4  }
0x149: {  	v1 =	vld [tilespmem:$0x770];
	_ =	sdelay $0x2  }
0x14a: {  	v0 =	vld.idx.msk [tilespmem:v0+s19+$0x0], $0xffff;
	_ =	sdelay $0x4  }
0x14b: {  	[tilespmem:v1+s16+$0x0] =	vst.idx.add.f32.msk $0xffff, v0  }
0x14c: {  	_ =	swait.ge [sflag:s23], $0x4000  }
0x14d: {  	[sflag:s23] =	ssyncset.done $0x0  }
0x14e: {  	[sflag:s23] =	ssyncadd.s32 $0xFFFFC000  }
0x14f: {  	[spmem:s1] =	stream.indirect.scatter.add.f32 [tilespmem:s22], [sflag:$0x2], $0x80, s7, s21, $0xb8;
	[tilespmem:$0x1DA80] =	vst v63  }
0x150: {  	_ =	swait.ge [sflag:s15], $0x4000  }
0x151: {  	[sflag:s15] =	ssyncset.done $0x0  }
0x152: {  	[sflag:s15] =	ssyncadd.s32 $0xFFFFC000  }
0x153: {  	[tilespmem:s22], [sflag:$0x1] =	stream.indirect.gather [hbm4b:s0+s21], $0x80, s9, s21, $0xb8;
	[tilespmem:$0x1DA80] =	vst v63  }
0x154: {  	v62 =	vld [tilespmem:$0x380];
	_ =	sdelay $0x4  }
0x155: {  	v63 =	vld [tilespmem:$0x780];
	_ =	sdelay $0x2  }
0x156: {  	v0 =	vld.idx.msk [tilespmem:v62+s19+$0x0], $0xffff;
	_ =	sdelay $0x4  }
0x157: {  	[tilespmem:v63+s16+$0x0] =	vst.idx.add.f32.msk $0xffff, v0  }
0x158: {  	v0 =	vld [tilespmem:$0x390];
	_ =	sdelay $0x4  }
0x159: {  	v1 =	vld [tilespmem:$0x790];
	_ =	sdelay $0x2  }
0x15a: {  	v0 =	vld.idx.msk [tilespmem:v0+s19+$0x0], $0xffff;
	_ =	sdelay $0x4  }
0x15b: {  	[tilespmem:v1+s16+$0x0] =	vst.idx.add.f32.msk $0xffff, v0  }
0x15c: {  	v0 =	vld [tilespmem:$0x3A0];
	_ =	sdelay $0x4  }
0x15d: {  	v1 =	vld [tilespmem:$0x7A0];
	_ =	sdelay $0x2  }
0x15e: {  	v0 =	vld.idx.msk [tilespmem:v0+s19+$0x0], $0xffff;
	_ =	sdelay $0x4  }
0x15f: {  	[tilespmem:v1+s16+$0x0] =	vst.idx.add.f32.msk $0xffff, v0  }
0x160: {  	v0 =	vld [tilespmem:$0x3B0];
	_ =	sdelay $0x4  }
0x161: {  	v1 =	vld [tilespmem:$0x7B0];
	_ =	sdelay $0x2  }
0x162: {  	v0 =	vld.idx.msk [tilespmem:v0+s19+$0x0], $0xffff;
	_ =	sdelay $0x4  }
0x163: {  	[tilespmem:v1+s16+$0x0] =	vst.idx.add.f32.msk $0xffff, v0  }
0x164: {  	v0 =	vld [tilespmem:$0x3C0];
	_ =	sdelay $0x4  }
0x165: {  	v1 =	vld [tilespmem:$0x7C0];
	_ =	sdelay $0x2  }
0x166: {  	v0 =	vld.idx.msk [tilespmem:v0+s19+$0x0], $0xffff;
	_ =	sdelay $0x4  }
0x167: {  	[tilespmem:v1+s16+$0x0] =	vst.idx.add.f32.msk $0xffff, v0  }
0x168: {  	v0 =	vld [tilespmem:$0x3D0];
	_ =	sdelay $0x4  }
0x169: {  	v1 =	vld [tilespmem:$0x7D0];
	_ =	sdelay $0x2  }
0x16a: {  	v0 =	vld.idx.msk [tilespmem:v0+s19+$0x0], $0xffff;
	_ =	sdelay $0x4  }
0x16b: {  	[tilespmem:v1+s16+$0x0] =	vst.idx.add.f32.msk $0xffff, v0  }
0x16c: {  	v0 =	vld [tilespmem:$0x3E0];
	_ =	sdelay $0x4  }
0x16d: {  	v1 =	vld [tilespmem:$0x7E0];
	_ =	sdelay $0x2  }
0x16e: {  	v0 =	vld.idx.msk [tilespmem:v0+s19+$0x0], $0xffff;
	_ =	sdelay $0x4  }
0x16f: {  	[tilespmem:v1+s16+$0x0] =	vst.idx.add.f32.msk $0xffff, v0  }
0x170: {  	v0 =	vld [tilespmem:$0x3F0];
	_ =	sdelay $0x4  }
0x171: {  	v1 =	vld [tilespmem:$0x7F0];
	_ =	sdelay $0x2  }
0x172: {  	v0 =	vld.idx.msk [tilespmem:v0+s19+$0x0], $0xffff;
	_ =	sdelay $0x4  }
0x173: {  	[tilespmem:v1+s16+$0x0] =	vst.idx.add.f32.msk $0xffff, v0  }
0x174: {  	_ =	swait.ge [sflag:s23], $0x4000  }
0x175: {  	p1 =	sne.s32 s17, $0x480;
	[sflag:s23] =	ssyncset.done $0x0  }
.Ltmp0:
0x176: {  	[sflag:s23] =	ssyncadd.s32 $0xFFFFC000;
	(pc) =	sbr.rel @p1 .LBB2_2-.Ltmp0, $4  }
0x177: {  	[spmem:s1] =	stream.indirect.scatter.add.f32 [tilespmem:s22], [sflag:$0x2], $0x80, s10, s21, $0xb8;
	[tilespmem:$0x1DA80] =	vst v63  }
0x178: {  	_ =	swait.ge [sflag:s15], $0x4000  }
0x179: {  	[sflag:s15] =	ssyncset.done $0x0  }
0x17a: {  	s17 =	sadd.s32 $0x80, s17;
	[sflag:s15] =	ssyncadd.s32 $0xFFFFC000  }
0x17b: {  	s14 =	rddreg [dreg:$0x3];
	s5 =	simm.s32 $0x9780;
	s11 =	simm.s32 $0x50  }
0x17c: {  	[spmem:s14] =	stream.indirect.scatter.add.f32 [tilespmem:s16], [sflag:$0x2], $0x80, s5, s11, $0xb8;
	[tilespmem:$0x1DA80] =	vst v63  }
0x17d: {  	_ =	swait.ge [sflag:s15], $0x2800  }
0x17e: {  	[sflag:s15] =	ssyncset.done $0x0  }
0x17f: {  	[sflag:s15] =	ssyncadd.s32 $0xFFFFD800  }
0x180: {  	[bflag:$0x0] =	sbarrier.arrive $0xFFFF  }
0x181: {  	s24 =	rddreg [dreg:$0x7]  }
0x182: {  	s18 =	rddreg [dreg:$0xb]  }
0x183: {  	[hbm:s24], [sflag:s8] =	dma.local [spmem:s18], $0x2800  }
0x184: {  	_ =	swait.ge [sflag:s15], $0x2800  }
0x185: {  	[sflag:s15] =	ssyncset.done $0x0;
	s14 =	rddreg [dreg:$0x8]  }
0x186: {  	s11 =	smov.u32 s8;
	s8 =	rddreg [dreg:$0xc];
	[sflag:s15] =	ssyncadd.s32 $0xFFFFD800  }
0x187: {  	[hbm:s14], [sflag:s11] =	dma.local @!p0 [spmem:s8], $0x500  }
0x188: {  	s14 =	simm.s32 @!p0 $0x2  }
0x189: {  	_ =	swait.ge @!p0 [sflag:s14], $0x500  }
0x18a: {  	s24 =	rddreg [dreg:$0xd]  }
0x18b: {  	s17 =	rddreg [dreg:$0x9];
	s24 =	sadd.s32 $0x1, s24  }
0x18c: {  	p1 =	sne.s32 s24, s17  }
.Ltmp1:
0x18d: {  	_ = 	snop;
	(pc) =	sbr.rel @p1 .LBB2_1-.Ltmp1, $4  }
0x18e: {  	_ = 	snop  }
0x18f: {  	[sflag:s14] =	ssyncset.done @!p0 $0x0  }
0x190: {  	[sflag:s14] =	ssyncadd.s32 @!p0 $0xFFFFFB00  }
0x191: {  	[dreg:$0xd] =	wrdreg s24;
	s24 =	simm.s32 $0x480;
	s17 =	smov.u32 s18  }
0x192: {  	_ =	sfence.sel $0x180000  }
0x193: {  	[bflag:$0x0] =	sbarrier.arrive $0xFFFF  }
0x194: {  	_ =	strace $0x90000047  }
0x195: {  	[bflag:$0x2] =	sbarrier.arrive $0xFFFF  }
0x196: {  	s0 =	rddreg [dreg:$0x4]  }
0x197: {  	s0 =	sadd.s32 @!p0 $0x100000, s0  }
0x198: {  	[sflag:s0] =	ssyncadd.tile.s32 @!p0 $0x1;
	_ =	shalt  }
.Lfunc_end2:
_tile_overlayer_lowered:
.L_overlay_start_2:
0x199: {  	(tag) =	ssettag $0x2  }
0x19a: {  	s0 =	rddreg [dreg:$0x0];
	s2 =	stileid.u32  }
0x19b: {  	s1 =	rddreg [dreg:$0x1];
	p0 =	sne.s32 s2, $0x0  }
0x19c: {  	s3 =	rddreg [dreg:$0x2];
	[bflag:$0x3] =	sbarrier.arrive $0xFFFF;
	s2 =	simm.s32 @!p0 $0x1C02  }
0x19d: {  	[timem:s3], [sflag:s2] =	dma.local @!p0 [hbm:s0], s1  }
0x19e: {  	s0 =	simm.s32 @!p0 $0x2  }
0x19f: {  	_ =	swait.ge @!p0 [sflag:s0], s1  }
0x1a0: {  	s1 =	ssub.s32 @!p0 $0x0, s1;
	[sflag:s0] =	ssyncset.done @!p0 $0x0  }
0x1a1: {  	[sflag:s0] =	ssyncadd.s32 @!p0 s1  }
0x1a2: {  	[bflag:$0x3] =	sbarrier.arrive $0xFFFF  }
0x1a3: {  	_ =	shalt  }

</sc_bundles>
